<compile_context>
chip_gen: v7x
topology: tpu7x:2x2x1
jax: 0.10.2.dev20260603
libtpu: 0.0.44.dev20260713+nightly
codegen_flags: <defaults>
</compile_context>

<pallas_src>
import functools

import jax
import jax.numpy as jnp
from jax import lax
from jax.experimental import pallas as pl
from jax.experimental.pallas import tpu as pltpu
from jax.experimental.pallas import tpu_sc as plsc

_B = 8
_N = 20000
_ROWS = 160
_LANES = 128
_NP = _ROWS * _LANES
_K = 6000
_CP = 6144
_CROWS = 48
_OUT = 1000
_THR = 0.7


def _decode_kernel(scores_ref, anc_ref, dlt_ref,
                   sm_ref, pp_ref, y1_ref, x1_ref, y2_ref, x2_ref):
    a_y1 = anc_ref[0, 0]
    a_x1 = anc_ref[0, 1]
    a_y2 = anc_ref[0, 2]
    a_x2 = anc_ref[0, 3]
    d_y = dlt_ref[0, 0] * 0.1
    d_x = dlt_ref[0, 1] * 0.1
    d_h = dlt_ref[0, 2] * 0.2
    d_w = dlt_ref[0, 3] * 0.2
    h = a_y2 - a_y1
    w = a_x2 - a_x1
    cy = a_y1 + 0.5 * h + d_y * h
    cx = a_x1 + 0.5 * w + d_x * w
    hh = h * jnp.exp(d_h)
    ww = w * jnp.exp(d_w)
    ry1 = cy - 0.5 * hh
    rx1 = cx - 0.5 * ww
    y1_ref[0] = jnp.clip(ry1, 0.0, 1.0)
    x1_ref[0] = jnp.clip(rx1, 0.0, 1.0)
    y2_ref[0] = jnp.clip(ry1 + hh, 0.0, 1.0)
    x2_ref[0] = jnp.clip(rx1 + ww, 0.0, 1.0)

    s = scores_ref[0]
    bits = lax.bitcast_convert_type(s, jnp.int32)
    pos = (lax.broadcasted_iota(jnp.int32, (_ROWS, _LANES), 0) * _LANES
           + lax.broadcasted_iota(jnp.int32, (_ROWS, _LANES), 1))

    def bs_body(_, lohi):
        lo, hi = lohi
        mid = (lo + hi) // 2
        c = jnp.sum(jnp.where(bits >= mid, 1, 0))
        big = c >= _K
        return (jnp.where(big, mid, lo), jnp.where(big, hi, mid))

    lo, _ = lax.fori_loop(0, 31, bs_body, (jnp.int32(0), jnp.int32(0x3F800000)))
    tau = lo
    c_gt = jnp.sum(jnp.where(bits > tau, 1, 0))
    k_eq = _K - c_gt
    eqt = bits == tau

    def bs2_body(_, lohi):
        lo2, hi2 = lohi
        mid2 = (lo2 + hi2) // 2
        c2 = jnp.sum(jnp.where(eqt & (pos < mid2), 1, 0))
        big2 = c2 >= k_eq
        return (jnp.where(big2, lo2, mid2), jnp.where(big2, mid2, hi2))

    _, m_idx = lax.fori_loop(0, 15, bs2_body, (jnp.int32(0), jnp.int32(_NP)))
    active = (bits > tau) | (eqt & (pos < m_idx))
    sm_ref[0] = jnp.where(active, s, -1.0)

    af = jnp.where(active, 1.0, 0.0)
    ir = lax.broadcasted_iota(jnp.int32, (_LANES, _LANES), 0)
    ic = lax.broadcasted_iota(jnp.int32, (_LANES, _LANES), 1)
    tri_incl = jnp.where(ir <= ic, 1.0, 0.0)
    incl = jnp.dot(af, tri_incl,
                   preferred_element_type=jnp.float32)
    row_tot = jnp.broadcast_to(jnp.sum(af, axis=1, keepdims=True),
                               (_ROWS, _LANES))
    jr = lax.broadcasted_iota(jnp.int32, (_ROWS, _ROWS), 0)
    jc = lax.broadcasted_iota(jnp.int32, (_ROWS, _ROWS), 1)
    tri_excl = jnp.where(jc < jr, 1.0, 0.0)
    row_off = jnp.dot(tri_excl, row_tot,
                      preferred_element_type=jnp.float32)
    pp_ref[0] = (incl + row_off - af).astype(jnp.int32)


def _sc_compact(sm_hbm, pp_hbm, y1_hbm, x1_hbm, y2_hbm, x2_hbm,
                cs_hbm, cy1_hbm, cx1_hbm, cy2_hbm, cx2_hbm,
                buf_v, pbuf_v, idx_v, out_v):
    info = plsc.get_sparse_core_info()
    nc = info.num_cores
    wid = lax.axis_index("s") * nc + lax.axis_index("c")

    @pl.when(wid < _B)
    def _():
        base_in = wid * _NP
        base_out = wid * _CP

        def fill_body(j, carry):
            idx_v[pl.ds(j * 16, 16)] = jnp.full((16,), _NP - 1, jnp.int32)
            return carry

        lax.fori_loop(0, _CP // 16, fill_body, jnp.int32(0))

        pltpu.sync_copy(sm_hbm.at[pl.ds(base_in, _NP)], buf_v)
        pltpu.sync_copy(pp_hbm.at[pl.ds(base_in, _NP)], pbuf_v)
        lane = lax.iota(jnp.int32, 16)

        def scan_body(j, carry):
            s16 = buf_v[pl.ds(j * 16, 16)]
            m = s16 > 0.0
            pp16 = pbuf_v[pl.ds(j * 16, 16)]
            plsc.store_scatter(idx_v, [pp16], lane + j * 16, mask=m)
            return carry

        lax.fori_loop(0, _NP // 16, scan_body, jnp.int32(0))

        def gather_plane(src_hbm, dst_hbm):
            pltpu.sync_copy(src_hbm.at[pl.ds(base_in, _NP)], buf_v)

            def g_body(j, carry):
                iv = idx_v[pl.ds(j * 16, 16)]
                out_v[pl.ds(j * 16, 16)] = plsc.load_gather(buf_v, [iv])
                return carry

            lax.fori_loop(0, _CP // 16, g_body, jnp.int32(0))
            pltpu.sync_copy(out_v, dst_hbm.at[pl.ds(base_out, _CP)])

        def gs_body(j, carry):
            iv = idx_v[pl.ds(j * 16, 16)]
            out_v[pl.ds(j * 16, 16)] = plsc.load_gather(buf_v, [iv])
            return carry

        lax.fori_loop(0, _CP // 16, gs_body, jnp.int32(0))
        pltpu.sync_copy(out_v, cs_hbm.at[pl.ds(base_out, _CP)])

        gather_plane(y1_hbm, cy1_hbm)
        gather_plane(x1_hbm, cx1_hbm)
        gather_plane(y2_hbm, cy2_hbm)
        gather_plane(x2_hbm, cx2_hbm)


def _nms_kernel(cs_ref, cy1_ref, cx1_ref, cy2_ref, cx2_ref, out_ref,
                sm_ref, ar_ref, y1_ref, x1_ref, y2_ref, x2_ref):
    y1 = cy1_ref[...]
    x1 = cx1_ref[...]
    y2 = cy2_ref[...]
    x2 = cx2_ref[...]
    y1_ref[...] = y1
    x1_ref[...] = x1
    y2_ref[...] = y2
    x2_ref[...] = x2
    ar_ref[...] = jnp.maximum(y2 - y1, 0.0) * jnp.maximum(x2 - x1, 0.0)
    sm_ref[...] = cs_ref[...]
    pos = (lax.broadcasted_iota(jnp.int32, (_CROWS, _LANES), 0) * _LANES
           + lax.broadcasted_iota(jnp.int32, (_CROWS, _LANES), 1))
    lane_iota = lax.broadcasted_iota(jnp.int32, (1, _LANES), 1)

    def pick(ref, r, c):
        row = ref[pl.ds(r, 1), :]
        return jnp.sum(jnp.where(lane_iota == c, row, 0.0), axis=1,
                       keepdims=True)

    def one_batch(b, i):
        lo = b * _CROWS
        hi = lo + _CROWS
        sm = sm_ref[lo:hi, :]
        mval = jnp.max(sm)
        valid = mval > 0.0
        idx = jnp.min(jnp.where(sm == mval, pos, _CP))
        r = lo + idx // _LANES
        c = idx - (idx // _LANES) * _LANES
        by1 = pick(y1_ref, r, c)
        bx1 = pick(x1_ref, r, c)
        by2 = pick(y2_ref, r, c)
        bx2 = pick(x2_ref, r, c)
        bar = (jnp.maximum(by2 - by1, 0.0) * jnp.maximum(bx2 - bx1, 0.0))
        iy1 = jnp.maximum(y1_ref[lo:hi, :], by1)
        ix1 = jnp.maximum(x1_ref[lo:hi, :], bx1)
        iy2 = jnp.minimum(y2_ref[lo:hi, :], by2)
        ix2 = jnp.minimum(x2_ref[lo:hi, :], bx2)
        inter = jnp.maximum(iy2 - iy1, 0.0) * jnp.maximum(ix2 - ix1, 0.0)
        union = bar + ar_ref[lo:hi, :] - inter
        kill = (inter > _THR * jnp.maximum(union, 1e-8)) | (pos == idx)
        sm_ref[lo:hi, :] = jnp.where(kill, -1.0, sm)
        box = jnp.concatenate([by1, bx1, by2, bx2], axis=1)
        out_ref[pl.ds(b, 1), pl.ds(i, 1), :] = (
            jnp.where(valid, box, 0.0).reshape(1, 1, 4))

    def nms_body(i, carry):
        for b in range(_B):
            one_batch(b, i)
        return carry

    lax.fori_loop(0, _OUT, nms_body, jnp.int32(0))


@jax.jit
def kernel(rpn_probs, rpn_bbox, anchors):
    scores = rpn_probs[..., 1]
    pad = _NP - _N
    scores_p = jnp.pad(scores, ((0, 0), (0, pad)),
                       constant_values=-1.0).reshape(_B, _ROWS, _LANES)
    anc_p = jnp.pad(anchors, ((0, 0), (0, pad), (0, 0))).transpose(
        (0, 2, 1)).reshape(_B, 4, _ROWS, _LANES)
    dlt_p = jnp.pad(rpn_bbox, ((0, 0), (0, pad), (0, 0))).transpose(
        (0, 2, 1)).reshape(_B, 4, _ROWS, _LANES)

    plane = jax.ShapeDtypeStruct((_B, _ROWS, _LANES), jnp.float32)
    iplane = jax.ShapeDtypeStruct((_B, _ROWS, _LANES), jnp.int32)
    sm, pp, y1, x1, y2, x2 = pl.pallas_call(
        _decode_kernel,
        grid=(_B,),
        in_specs=[
            pl.BlockSpec((1, _ROWS, _LANES), lambda b: (b, 0, 0)),
            pl.BlockSpec((1, 4, _ROWS, _LANES), lambda b: (b, 0, 0, 0)),
            pl.BlockSpec((1, 4, _ROWS, _LANES), lambda b: (b, 0, 0, 0)),
        ],
        out_specs=[pl.BlockSpec((1, _ROWS, _LANES), lambda b: (b, 0, 0))] * 6,
        out_shape=[plane, iplane, plane, plane, plane, plane],
    )(scores_p, anc_p, dlt_p)

    flat = jax.ShapeDtypeStruct((_B * _CP,), jnp.float32)
    sc_fn = functools.partial(
        pl.kernel,
        mesh=plsc.VectorSubcoreMesh(core_axis_name="c", subcore_axis_name="s"),
        compiler_params=pltpu.CompilerParams(needs_layout_passes=False),
        out_type=[flat] * 5,
        scratch_types=[
            pltpu.VMEM((_NP,), jnp.float32),
            pltpu.VMEM((_NP,), jnp.int32),
            pltpu.VMEM((_CP,), jnp.int32),
            pltpu.VMEM((_CP,), jnp.float32),
        ],
    )(_sc_compact)
    cs, cy1, cx1, cy2, cx2 = sc_fn(
        sm.reshape(_B * _NP), pp.reshape(_B * _NP), y1.reshape(_B * _NP),
        x1.reshape(_B * _NP), y2.reshape(_B * _NP), x2.reshape(_B * _NP))

    cshape = (_B * _CROWS, _LANES)
    return pl.pallas_call(
        _nms_kernel,
        out_shape=jax.ShapeDtypeStruct((_B, _OUT, 4), jnp.float32),
        scratch_shapes=[
            pltpu.VMEM(cshape, jnp.float32),
            pltpu.VMEM(cshape, jnp.float32),
            pltpu.VMEM(cshape, jnp.float32),
            pltpu.VMEM(cshape, jnp.float32),
            pltpu.VMEM(cshape, jnp.float32),
            pltpu.VMEM(cshape, jnp.float32),
        ],
    )(cs.reshape(cshape), cy1.reshape(cshape), cx1.reshape(cshape),
      cy2.reshape(cshape), cx2.reshape(cshape))

# --- scband reference (transcript-rebuilt; emitter-appended) ---
"""Pipeline reference for scband-proposal-layer-33749853012640 (READ-ONLY COPY).

The authoritative reference and input builder live on the scoring server;
editing this copy changes nothing except your own understanding.
"""

import jax, jax.numpy as jnp
import numpy as np

B = 8
N = 20000
NUM_PROPOSAL = 1000
NMS_THRESHOLD = 0.7
PRE_NMS_LIMIT = 6000
BBOX_STD_DEV = jnp.array([0.1, 0.1, 0.2, 0.2], dtype=jnp.float32)


def setup_inputs(seed: int = 0):
    key = jax.random.key(seed)
    k1, k2, k3 = jax.random.split(key, 3)
    logits = jax.random.normal(k1, (B, N, 2), dtype=jnp.float32)
    rpn_probs = jax.nn.softmax(logits, axis=-1)
    rpn_bbox = jax.random.normal(k2, (B, N, 4), dtype=jnp.float32)
    a = jax.random.uniform(k3, (B, N, 4), dtype=jnp.float32)
    yc = a[..., 0]
    xc = a[..., 1]
    h = a[..., 2] * 0.2 + 0.01
    w = a[..., 3] * 0.2 + 0.01
    anchors = jnp.stack([yc - h / 2, xc - w / 2, yc + h / 2, xc + w / 2], axis=-1)
    return {"rpn_probs": rpn_probs, "rpn_bbox": rpn_bbox, "anchors": anchors}


def apply_box_deltas(boxes, deltas):
    height = boxes[..., 2] - boxes[..., 0]
    width = boxes[..., 3] - boxes[..., 1]
    cy = boxes[..., 0] + 0.5 * height
    cx = boxes[..., 1] + 0.5 * width
    cy = cy + deltas[..., 0] * height
    cx = cx + deltas[..., 1] * width
    height = height * jnp.exp(deltas[..., 2])
    width = width * jnp.exp(deltas[..., 3])
    y1 = cy - 0.5 * height
    x1 = cx - 0.5 * width
    y2 = y1 + height
    x2 = x1 + width
    return jnp.stack([y1, x1, y2, x2], axis=-1)


def clip_boxes(boxes):
    return jnp.clip(boxes, 0.0, 1.0)


def pairwise_iou(box, boxes):
    y1 = jnp.maximum(box[0], boxes[:, 0])
    x1 = jnp.maximum(box[1], boxes[:, 1])
    y2 = jnp.minimum(box[2], boxes[:, 2])
    x2 = jnp.minimum(box[3], boxes[:, 3])
    inter = jnp.maximum(y2 - y1, 0.0) * jnp.maximum(x2 - x1, 0.0)
    area = jnp.maximum(box[2] - box[0], 0.0) * jnp.maximum(box[3] - box[1], 0.0)
    areas = jnp.maximum(boxes[:, 2] - boxes[:, 0], 0.0) * jnp.maximum(boxes[:, 3] - boxes[:, 1], 0.0)
    union = area + areas - inter
    return inter / jnp.maximum(union, 1e-8)


def nms_indices(boxes, max_output, iou_threshold):
    n = boxes.shape[0]
    active = jnp.ones((n,), dtype=bool)
    selected = jnp.zeros((max_output,), dtype=jnp.int32)
    valid = jnp.zeros((max_output,), dtype=bool)

    def body(i, state):
        active, selected, valid = state
        idx = jnp.argmax(active).astype(jnp.int32)
        is_valid = active[idx]
        selected = selected.at[i].set(idx)
        valid = valid.at[i].set(is_valid)
        ious = pairwise_iou(boxes[idx], boxes)
        suppress = ious > iou_threshold
        active = jnp.where(is_valid, active & (~suppress), active)
        active = active.at[idx].set(False)
        return (active, selected, valid)

    active, selected, valid = jax.lax.fori_loop(0, max_output, body, (active, selected, valid))
    return selected, valid


def reference(rpn_probs, rpn_bbox, anchors):
    # Mask R-CNN style ProposalLayer forward
    scores = rpn_probs[..., 1]
    deltas = rpn_bbox * BBOX_STD_DEV
    pre_nms = min(PRE_NMS_LIMIT, scores.shape[1])
    top_scores, ix = jax.lax.top_k(scores, pre_nms)
    deltas_g = jnp.take_along_axis(deltas, ix[..., None], axis=1)
    anchors_g = jnp.take_along_axis(anchors, ix[..., None], axis=1)
    boxes = clip_boxes(apply_box_deltas(anchors_g, deltas_g))

    def per_image(boxes_i):
        sel, valid = nms_indices(jax.lax.stop_gradient(boxes_i), NUM_PROPOSAL, NMS_THRESHOLD)
        props = boxes_i[sel]
        props = jnp.where(valid[:, None], props, 0.0)
        return props

    proposals = jax.vmap(per_image)(boxes)
    return proposals

if __name__ == "__main__":
    import jax
    _d = setup_inputs()
    print(jax.jit(kernel)(*tuple(_d.values())))

</pallas_src>

<mosaic_0001>
#map = affine_map<(d0, d1) -> (0)>
module attributes {stable_mosaic.version = 14 : i64} {
  func.func @_sc_compact(%arg0: i32, %arg1: i32, %arg2: memref<163840xf32, #tpu.memory_space<hbm>>, %arg3: memref<163840xi32, #tpu.memory_space<hbm>>, %arg4: memref<163840xf32, #tpu.memory_space<hbm>>, %arg5: memref<163840xf32, #tpu.memory_space<hbm>>, %arg6: memref<163840xf32, #tpu.memory_space<hbm>>, %arg7: memref<163840xf32, #tpu.memory_space<hbm>>, %arg8: memref<49152xf32, #tpu.memory_space<hbm>>, %arg9: memref<49152xf32, #tpu.memory_space<hbm>>, %arg10: memref<49152xf32, #tpu.memory_space<hbm>>, %arg11: memref<49152xf32, #tpu.memory_space<hbm>>, %arg12: memref<49152xf32, #tpu.memory_space<hbm>>, %arg13: memref<20480xf32, #tpu.memory_space<vmem>>, %arg14: memref<20480xi32, #tpu.memory_space<vmem>>, %arg15: memref<6144xi32, #tpu.memory_space<vmem>>, %arg16: memref<6144xf32, #tpu.memory_space<vmem>>) attributes {dimension_semantics = [#tpu.dimension_semantics<core_parallel>, #tpu.dimension_semantics<subcore_parallel>], iteration_bounds = array<i64: 2, 16>, scalar_prefetch = 0 : i64, scratch_operands = 4 : i64, tpu.core_type = #tpu.core_type<sc_vector_subcore>, window_params = [{transform_indices = #map}, {transform_indices = #map}, {transform_indices = #map}, {transform_indices = #map}, {transform_indices = #map}, {transform_indices = #map}, {transform_indices = #map}, {transform_indices = #map}, {transform_indices = #map}, {transform_indices = #map}, {transform_indices = #map}]} {
    %mul3A = arith.constant 2 : i32
    %mul3A_0 = arith.muli %arg1, %mul3A : i32
    %add3A = arith.addi %mul3A_0, %arg0 : i32
    %lt3A = arith.constant 8 : i32
    %lt3A_1 = arith.cmpi slt, %add3A, %lt3A : i32
    %convert_element_type3A = arith.extui %lt3A_1 : i1 to i32
    %cond3A = arith.constant 0 : i32
    %cond3A_2 = arith.cmpi ne, %convert_element_type3A, %cond3A : i32
    scf.if %cond3A_2 {
      %mul3A_3 = arith.constant 20480 : i32
      %mul3A_4 = arith.muli %add3A, %mul3A_3 : i32
      %mul3A_5 = arith.constant 6144 : i32
      %mul3A_6 = arith.muli %add3A, %mul3A_5 : i32
      %scan3A = arith.constant 0 : i32
      %scan3A_7 = arith.constant 0 : i32
      %scan3A_8 = arith.constant 384 : i32
      %scan3A_9 = arith.addi %scan3A_7, %scan3A_8 : i32
      %scan3A_10 = arith.constant 1 : i32
      scf.for %scan3A_48 = %scan3A_7 to %scan3A_9 step %scan3A_10  : i32 {
        %broadcast_in_dim3A = arith.constant 20479 : i32
        %broadcast_in_dim3A_49 = vector.broadcast %broadcast_in_dim3A : i32 to vector<16xi32>
        %mul3A_50 = arith.constant 16 : i32
        %mul3A_51 = arith.muli %scan3A_48, %mul3A_50 : i32
        %swap3A = arith.index_cast %mul3A_51 : i32 to index
        %swap3A_52 = tpu.vector_load %arg15[%swap3A] {strides = array<i32>} : memref<6144xi32, #tpu.memory_space<vmem>>, vector<16xi32>,
        tpu.vector_store %arg15[%swap3A], %broadcast_in_dim3A_49 {strides = array<i32>} : memref<6144xi32, #tpu.memory_space<vmem>>, vector<16xi32>,
      }
      %scan3A_11 = arith.constant 384 : i32
      "tpu.region"() ({
        %run_scoped3A = tpu.sem_alloc : memref<!tpu.dma_semaphore, #tpu.memory_space<semaphore_mem>>
        %dma_start3A = tpu.memref_slice %arg2[%mul3A_4] : memref<163840xf32, #tpu.memory_space<hbm>> -> memref<20480xf32, #tpu.memory_space<hbm>>
        %dma_start3A_48 = tpu.memref_slice %arg2[%mul3A_4] : memref<163840xf32, #tpu.memory_space<hbm>> -> memref<20480xf32, #tpu.memory_space<hbm>>
        tpu.enqueue_dma source(%dma_start3A_48 : memref<20480xf32, #tpu.memory_space<hbm>>) target(%arg13 : memref<20480xf32, #tpu.memory_space<vmem>>) target_semaphore(%run_scoped3A : memref<!tpu.dma_semaphore, #tpu.memory_space<semaphore_mem>>)
        %dma_wait3A = tpu.memref_slice %arg2[%mul3A_4] : memref<163840xf32, #tpu.memory_space<hbm>> -> memref<20480xf32, #tpu.memory_space<hbm>>
        %dma_wait3A_49 = tpu.memref_slice %arg2[%mul3A_4] : memref<163840xf32, #tpu.memory_space<hbm>> -> memref<20480xf32, #tpu.memory_space<hbm>>
        tpu.wait_dma2 semaphore(%run_scoped3A : memref<!tpu.dma_semaphore, #tpu.memory_space<semaphore_mem>>) src(%dma_wait3A_49 : memref<20480xf32, #tpu.memory_space<hbm>>) dst(%arg13 : memref<20480xf32, #tpu.memory_space<vmem>>)
        tpu.yield
      }) : () -> ()
      "tpu.region"() ({
        %run_scoped3A = tpu.sem_alloc : memref<!tpu.dma_semaphore, #tpu.memory_space<semaphore_mem>>
        %dma_start3A = tpu.memref_slice %arg3[%mul3A_4] : memref<163840xi32, #tpu.memory_space<hbm>> -> memref<20480xi32, #tpu.memory_space<hbm>>
        %dma_start3A_48 = tpu.memref_slice %arg3[%mul3A_4] : memref<163840xi32, #tpu.memory_space<hbm>> -> memref<20480xi32, #tpu.memory_space<hbm>>
        tpu.enqueue_dma source(%dma_start3A_48 : memref<20480xi32, #tpu.memory_space<hbm>>) target(%arg14 : memref<20480xi32, #tpu.memory_space<vmem>>) target_semaphore(%run_scoped3A : memref<!tpu.dma_semaphore, #tpu.memory_space<semaphore_mem>>)
        %dma_wait3A = tpu.memref_slice %arg3[%mul3A_4] : memref<163840xi32, #tpu.memory_space<hbm>> -> memref<20480xi32, #tpu.memory_space<hbm>>
        %dma_wait3A_49 = tpu.memref_slice %arg3[%mul3A_4] : memref<163840xi32, #tpu.memory_space<hbm>> -> memref<20480xi32, #tpu.memory_space<hbm>>
        tpu.wait_dma2 semaphore(%run_scoped3A : memref<!tpu.dma_semaphore, #tpu.memory_space<semaphore_mem>>) src(%dma_wait3A_49 : memref<20480xi32, #tpu.memory_space<hbm>>) dst(%arg14 : memref<20480xi32, #tpu.memory_space<vmem>>)
        tpu.yield
      }) : () -> ()
      %iota3A = tpu.iota {dimensions = array<i32: 0>} : vector<16xi32>
      %scan3A_12 = arith.constant 0 : i32
      %scan3A_13 = arith.constant 0 : i32
      %scan3A_14 = arith.constant 1280 : i32
      %scan3A_15 = arith.addi %scan3A_13, %scan3A_14 : i32
      %scan3A_16 = arith.constant 1 : i32
      scf.for %scan3A_48 = %scan3A_13 to %scan3A_15 step %scan3A_16  : i32 {
        %mul3A_49 = arith.constant 16 : i32
        %mul3A_50 = arith.muli %scan3A_48, %mul3A_49 : i32
        %get3A = arith.index_cast %mul3A_50 : i32 to index
        %get3A_51 = tpu.vector_load %arg13[%get3A] {strides = array<i32>} : memref<20480xf32, #tpu.memory_space<vmem>>, vector<16xf32>,
        %gt3A = arith.constant 0.000000e+00 : f32
        %gt3A_52 = vector.broadcast %gt3A : f32 to vector<16xf32>
        %gt3A_53 = arith.cmpf ogt, %get3A_51, %gt3A_52 : vector<16xf32>
        %mul3A_54 = arith.constant 16 : i32
        %mul3A_55 = arith.muli %scan3A_48, %mul3A_54 : i32
        %get3A_56 = arith.index_cast %mul3A_55 : i32 to index
        %get3A_57 = tpu.vector_load %arg14[%get3A_56] {strides = array<i32>} : memref<20480xi32, #tpu.memory_space<vmem>>, vector<16xi32>,
        %mul3A_58 = arith.constant 16 : i32
        %mul3A_59 = arith.muli %scan3A_48, %mul3A_58 : i32
        %add3A_60 = vector.broadcast %mul3A_59 : i32 to vector<16xi32>
        %add3A_61 = arith.addi %iota3A, %add3A_60 : vector<16xi32>
        tpu.vector_store_idx %arg15[%get3A_57], %add3A_61 masked %gt3A_53 : memref<6144xi32, #tpu.memory_space<vmem>>[vector<16xi32>], vector<16xi32>, vector<16xi1>
      }
      %scan3A_17 = arith.constant 1280 : i32
      %scan3A_18 = arith.constant 0 : i32
      %scan3A_19 = arith.constant 0 : i32
      %scan3A_20 = arith.constant 384 : i32
      %scan3A_21 = arith.addi %scan3A_19, %scan3A_20 : i32
      %scan3A_22 = arith.constant 1 : i32
      scf.for %scan3A_48 = %scan3A_19 to %scan3A_21 step %scan3A_22  : i32 {
        %mul3A_49 = arith.constant 16 : i32
        %mul3A_50 = arith.muli %scan3A_48, %mul3A_49 : i32
        %get3A = arith.index_cast %mul3A_50 : i32 to index
        %get3A_51 = tpu.vector_load %arg15[%get3A] {strides = array<i32>} : memref<6144xi32, #tpu.memory_space<vmem>>, vector<16xi32>,
        %gather3A = tpu.vector_load_idx %arg13[%get3A_51] : memref<20480xf32, #tpu.memory_space<vmem>>[vector<16xi32>], vector<16xf32>,
        %mul3A_52 = arith.constant 16 : i32
        %mul3A_53 = arith.muli %scan3A_48, %mul3A_52 : i32
        %swap3A = arith.index_cast %mul3A_53 : i32 to index
        %swap3A_54 = tpu.vector_load %arg16[%swap3A] {strides = array<i32>} : memref<6144xf32, #tpu.memory_space<vmem>>, vector<16xf32>,
        tpu.vector_store %arg16[%swap3A], %gather3A {strides = array<i32>} : memref<6144xf32, #tpu.memory_space<vmem>>, vector<16xf32>,
      }
      %scan3A_23 = arith.constant 384 : i32
      "tpu.region"() ({
        %run_scoped3A = tpu.sem_alloc : memref<!tpu.dma_semaphore, #tpu.memory_space<semaphore_mem>>
        %dma_start3A = tpu.memref_slice %arg8[%mul3A_6] : memref<49152xf32, #tpu.memory_space<hbm>> -> memref<6144xf32, #tpu.memory_space<hbm>>
        %dma_start3A_48 = tpu.memref_slice %arg8[%mul3A_6] : memref<49152xf32, #tpu.memory_space<hbm>> -> memref<6144xf32, #tpu.memory_space<hbm>>
        tpu.enqueue_dma source(%arg16 : memref<6144xf32, #tpu.memory_space<vmem>>) target(%dma_start3A_48 : memref<6144xf32, #tpu.memory_space<hbm>>) target_semaphore(%run_scoped3A : memref<!tpu.dma_semaphore, #tpu.memory_space<semaphore_mem>>)
        %dma_wait3A = tpu.memref_slice %arg8[%mul3A_6] : memref<49152xf32, #tpu.memory_space<hbm>> -> memref<6144xf32, #tpu.memory_space<hbm>>
        %dma_wait3A_49 = tpu.memref_slice %arg8[%mul3A_6] : memref<49152xf32, #tpu.memory_space<hbm>> -> memref<6144xf32, #tpu.memory_space<hbm>>
        tpu.wait_dma2 semaphore(%run_scoped3A : memref<!tpu.dma_semaphore, #tpu.memory_space<semaphore_mem>>) src(%arg16 : memref<6144xf32, #tpu.memory_space<vmem>>) dst(%dma_wait3A_49 : memref<6144xf32, #tpu.memory_space<hbm>>)
        tpu.yield
      }) : () -> ()
      "tpu.region"() ({
        %run_scoped3A = tpu.sem_alloc : memref<!tpu.dma_semaphore, #tpu.memory_space<semaphore_mem>>
        %dma_start3A = tpu.memref_slice %arg4[%mul3A_4] : memref<163840xf32, #tpu.memory_space<hbm>> -> memref<20480xf32, #tpu.memory_space<hbm>>
        %dma_start3A_48 = tpu.memref_slice %arg4[%mul3A_4] : memref<163840xf32, #tpu.memory_space<hbm>> -> memref<20480xf32, #tpu.memory_space<hbm>>
        tpu.enqueue_dma source(%dma_start3A_48 : memref<20480xf32, #tpu.memory_space<hbm>>) target(%arg13 : memref<20480xf32, #tpu.memory_space<vmem>>) target_semaphore(%run_scoped3A : memref<!tpu.dma_semaphore, #tpu.memory_space<semaphore_mem>>)
        %dma_wait3A = tpu.memref_slice %arg4[%mul3A_4] : memref<163840xf32, #tpu.memory_space<hbm>> -> memref<20480xf32, #tpu.memory_space<hbm>>
        %dma_wait3A_49 = tpu.memref_slice %arg4[%mul3A_4] : memref<163840xf32, #tpu.memory_space<hbm>> -> memref<20480xf32, #tpu.memory_space<hbm>>
        tpu.wait_dma2 semaphore(%run_scoped3A : memref<!tpu.dma_semaphore, #tpu.memory_space<semaphore_mem>>) src(%dma_wait3A_49 : memref<20480xf32, #tpu.memory_space<hbm>>) dst(%arg13 : memref<20480xf32, #tpu.memory_space<vmem>>)
        tpu.yield
      }) : () -> ()
      %scan3A_24 = arith.constant 0 : i32
      %scan3A_25 = arith.constant 0 : i32
      %scan3A_26 = arith.constant 384 : i32
      %scan3A_27 = arith.addi %scan3A_25, %scan3A_26 : i32
      %scan3A_28 = arith.constant 1 : i32
      scf.for %scan3A_48 = %scan3A_25 to %scan3A_27 step %scan3A_28  : i32 {
        %mul3A_49 = arith.constant 16 : i32
        %mul3A_50 = arith.muli %scan3A_48, %mul3A_49 : i32
        %get3A = arith.index_cast %mul3A_50 : i32 to index
        %get3A_51 = tpu.vector_load %arg15[%get3A] {strides = array<i32>} : memref<6144xi32, #tpu.memory_space<vmem>>, vector<16xi32>,
        %gather3A = tpu.vector_load_idx %arg13[%get3A_51] : memref<20480xf32, #tpu.memory_space<vmem>>[vector<16xi32>], vector<16xf32>,
        %mul3A_52 = arith.constant 16 : i32
        %mul3A_53 = arith.muli %scan3A_48, %mul3A_52 : i32
        %swap3A = arith.index_cast %mul3A_53 : i32 to index
        %swap3A_54 = tpu.vector_load %arg16[%swap3A] {strides = array<i32>} : memref<6144xf32, #tpu.memory_space<vmem>>, vector<16xf32>,
        tpu.vector_store %arg16[%swap3A], %gather3A {strides = array<i32>} : memref<6144xf32, #tpu.memory_space<vmem>>, vector<16xf32>,
      }
      %scan3A_29 = arith.constant 384 : i32
      "tpu.region"() ({
        %run_scoped3A = tpu.sem_alloc : memref<!tpu.dma_semaphore, #tpu.memory_space<semaphore_mem>>
        %dma_start3A = tpu.memref_slice %arg9[%mul3A_6] : memref<49152xf32, #tpu.memory_space<hbm>> -> memref<6144xf32, #tpu.memory_space<hbm>>
        %dma_start3A_48 = tpu.memref_slice %arg9[%mul3A_6] : memref<49152xf32, #tpu.memory_space<hbm>> -> memref<6144xf32, #tpu.memory_space<hbm>>
        tpu.enqueue_dma source(%arg16 : memref<6144xf32, #tpu.memory_space<vmem>>) target(%dma_start3A_48 : memref<6144xf32, #tpu.memory_space<hbm>>) target_semaphore(%run_scoped3A : memref<!tpu.dma_semaphore, #tpu.memory_space<semaphore_mem>>)
        %dma_wait3A = tpu.memref_slice %arg9[%mul3A_6] : memref<49152xf32, #tpu.memory_space<hbm>> -> memref<6144xf32, #tpu.memory_space<hbm>>
        %dma_wait3A_49 = tpu.memref_slice %arg9[%mul3A_6] : memref<49152xf32, #tpu.memory_space<hbm>> -> memref<6144xf32, #tpu.memory_space<hbm>>
        tpu.wait_dma2 semaphore(%run_scoped3A : memref<!tpu.dma_semaphore, #tpu.memory_space<semaphore_mem>>) src(%arg16 : memref<6144xf32, #tpu.memory_space<vmem>>) dst(%dma_wait3A_49 : memref<6144xf32, #tpu.memory_space<hbm>>)
        tpu.yield
      }) : () -> ()
      "tpu.region"() ({
        %run_scoped3A = tpu.sem_alloc : memref<!tpu.dma_semaphore, #tpu.memory_space<semaphore_mem>>
        %dma_start3A = tpu.memref_slice %arg5[%mul3A_4] : memref<163840xf32, #tpu.memory_space<hbm>> -> memref<20480xf32, #tpu.memory_space<hbm>>
        %dma_start3A_48 = tpu.memref_slice %arg5[%mul3A_4] : memref<163840xf32, #tpu.memory_space<hbm>> -> memref<20480xf32, #tpu.memory_space<hbm>>
        tpu.enqueue_dma source(%dma_start3A_48 : memref<20480xf32, #tpu.memory_space<hbm>>) target(%arg13 : memref<20480xf32, #tpu.memory_space<vmem>>) target_semaphore(%run_scoped3A : memref<!tpu.dma_semaphore, #tpu.memory_space<semaphore_mem>>)
        %dma_wait3A = tpu.memref_slice %arg5[%mul3A_4] : memref<163840xf32, #tpu.memory_space<hbm>> -> memref<20480xf32, #tpu.memory_space<hbm>>
        %dma_wait3A_49 = tpu.memref_slice %arg5[%mul3A_4] : memref<163840xf32, #tpu.memory_space<hbm>> -> memref<20480xf32, #tpu.memory_space<hbm>>
        tpu.wait_dma2 semaphore(%run_scoped3A : memref<!tpu.dma_semaphore, #tpu.memory_space<semaphore_mem>>) src(%dma_wait3A_49 : memref<20480xf32, #tpu.memory_space<hbm>>) dst(%arg13 : memref<20480xf32, #tpu.memory_space<vmem>>)
        tpu.yield
      }) : () -> ()
      %scan3A_30 = arith.constant 0 : i32
      %scan3A_31 = arith.constant 0 : i32
      %scan3A_32 = arith.constant 384 : i32
      %scan3A_33 = arith.addi %scan3A_31, %scan3A_32 : i32
      %scan3A_34 = arith.constant 1 : i32
      scf.for %scan3A_48 = %scan3A_31 to %scan3A_33 step %scan3A_34  : i32 {
        %mul3A_49 = arith.constant 16 : i32
        %mul3A_50 = arith.muli %scan3A_48, %mul3A_49 : i32
        %get3A = arith.index_cast %mul3A_50 : i32 to index
        %get3A_51 = tpu.vector_load %arg15[%get3A] {strides = array<i32>} : memref<6144xi32, #tpu.memory_space<vmem>>, vector<16xi32>,
        %gather3A = tpu.vector_load_idx %arg13[%get3A_51] : memref<20480xf32, #tpu.memory_space<vmem>>[vector<16xi32>], vector<16xf32>,
        %mul3A_52 = arith.constant 16 : i32
        %mul3A_53 = arith.muli %scan3A_48, %mul3A_52 : i32
        %swap3A = arith.index_cast %mul3A_53 : i32 to index
        %swap3A_54 = tpu.vector_load %arg16[%swap3A] {strides = array<i32>} : memref<6144xf32, #tpu.memory_space<vmem>>, vector<16xf32>,
        tpu.vector_store %arg16[%swap3A], %gather3A {strides = array<i32>} : memref<6144xf32, #tpu.memory_space<vmem>>, vector<16xf32>,
      }
      %scan3A_35 = arith.constant 384 : i32
      "tpu.region"() ({
        %run_scoped3A = tpu.sem_alloc : memref<!tpu.dma_semaphore, #tpu.memory_space<semaphore_mem>>
        %dma_start3A = tpu.memref_slice %arg10[%mul3A_6] : memref<49152xf32, #tpu.memory_space<hbm>> -> memref<6144xf32, #tpu.memory_space<hbm>>
        %dma_start3A_48 = tpu.memref_slice %arg10[%mul3A_6] : memref<49152xf32, #tpu.memory_space<hbm>> -> memref<6144xf32, #tpu.memory_space<hbm>>
        tpu.enqueue_dma source(%arg16 : memref<6144xf32, #tpu.memory_space<vmem>>) target(%dma_start3A_48 : memref<6144xf32, #tpu.memory_space<hbm>>) target_semaphore(%run_scoped3A : memref<!tpu.dma_semaphore, #tpu.memory_space<semaphore_mem>>)
        %dma_wait3A = tpu.memref_slice %arg10[%mul3A_6] : memref<49152xf32, #tpu.memory_space<hbm>> -> memref<6144xf32, #tpu.memory_space<hbm>>
        %dma_wait3A_49 = tpu.memref_slice %arg10[%mul3A_6] : memref<49152xf32, #tpu.memory_space<hbm>> -> memref<6144xf32, #tpu.memory_space<hbm>>
        tpu.wait_dma2 semaphore(%run_scoped3A : memref<!tpu.dma_semaphore, #tpu.memory_space<semaphore_mem>>) src(%arg16 : memref<6144xf32, #tpu.memory_space<vmem>>) dst(%dma_wait3A_49 : memref<6144xf32, #tpu.memory_space<hbm>>)
        tpu.yield
      }) : () -> ()
      "tpu.region"() ({
        %run_scoped3A = tpu.sem_alloc : memref<!tpu.dma_semaphore, #tpu.memory_space<semaphore_mem>>
        %dma_start3A = tpu.memref_slice %arg6[%mul3A_4] : memref<163840xf32, #tpu.memory_space<hbm>> -> memref<20480xf32, #tpu.memory_space<hbm>>
        %dma_start3A_48 = tpu.memref_slice %arg6[%mul3A_4] : memref<163840xf32, #tpu.memory_space<hbm>> -> memref<20480xf32, #tpu.memory_space<hbm>>
        tpu.enqueue_dma source(%dma_start3A_48 : memref<20480xf32, #tpu.memory_space<hbm>>) target(%arg13 : memref<20480xf32, #tpu.memory_space<vmem>>) target_semaphore(%run_scoped3A : memref<!tpu.dma_semaphore, #tpu.memory_space<semaphore_mem>>)
        %dma_wait3A = tpu.memref_slice %arg6[%mul3A_4] : memref<163840xf32, #tpu.memory_space<hbm>> -> memref<20480xf32, #tpu.memory_space<hbm>>
        %dma_wait3A_49 = tpu.memref_slice %arg6[%mul3A_4] : memref<163840xf32, #tpu.memory_space<hbm>> -> memref<20480xf32, #tpu.memory_space<hbm>>
        tpu.wait_dma2 semaphore(%run_scoped3A : memref<!tpu.dma_semaphore, #tpu.memory_space<semaphore_mem>>) src(%dma_wait3A_49 : memref<20480xf32, #tpu.memory_space<hbm>>) dst(%arg13 : memref<20480xf32, #tpu.memory_space<vmem>>)
        tpu.yield
      }) : () -> ()
      %scan3A_36 = arith.constant 0 : i32
      %scan3A_37 = arith.constant 0 : i32
      %scan3A_38 = arith.constant 384 : i32
      %scan3A_39 = arith.addi %scan3A_37, %scan3A_38 : i32
      %scan3A_40 = arith.constant 1 : i32
      scf.for %scan3A_48 = %scan3A_37 to %scan3A_39 step %scan3A_40  : i32 {
        %mul3A_49 = arith.constant 16 : i32
        %mul3A_50 = arith.muli %scan3A_48, %mul3A_49 : i32
        %get3A = arith.index_cast %mul3A_50 : i32 to index
        %get3A_51 = tpu.vector_load %arg15[%get3A] {strides = array<i32>} : memref<6144xi32, #tpu.memory_space<vmem>>, vector<16xi32>,
        %gather3A = tpu.vector_load_idx %arg13[%get3A_51] : memref<20480xf32, #tpu.memory_space<vmem>>[vector<16xi32>], vector<16xf32>,
        %mul3A_52 = arith.constant 16 : i32
        %mul3A_53 = arith.muli %scan3A_48, %mul3A_52 : i32
        %swap3A = arith.index_cast %mul3A_53 : i32 to index
        %swap3A_54 = tpu.vector_load %arg16[%swap3A] {strides = array<i32>} : memref<6144xf32, #tpu.memory_space<vmem>>, vector<16xf32>,
        tpu.vector_store %arg16[%swap3A], %gather3A {strides = array<i32>} : memref<6144xf32, #tpu.memory_space<vmem>>, vector<16xf32>,
      }
      %scan3A_41 = arith.constant 384 : i32
      "tpu.region"() ({
        %run_scoped3A = tpu.sem_alloc : memref<!tpu.dma_semaphore, #tpu.memory_space<semaphore_mem>>
        %dma_start3A = tpu.memref_slice %arg11[%mul3A_6] : memref<49152xf32, #tpu.memory_space<hbm>> -> memref<6144xf32, #tpu.memory_space<hbm>>
        %dma_start3A_48 = tpu.memref_slice %arg11[%mul3A_6] : memref<49152xf32, #tpu.memory_space<hbm>> -> memref<6144xf32, #tpu.memory_space<hbm>>
        tpu.enqueue_dma source(%arg16 : memref<6144xf32, #tpu.memory_space<vmem>>) target(%dma_start3A_48 : memref<6144xf32, #tpu.memory_space<hbm>>) target_semaphore(%run_scoped3A : memref<!tpu.dma_semaphore, #tpu.memory_space<semaphore_mem>>)
        %dma_wait3A = tpu.memref_slice %arg11[%mul3A_6] : memref<49152xf32, #tpu.memory_space<hbm>> -> memref<6144xf32, #tpu.memory_space<hbm>>
        %dma_wait3A_49 = tpu.memref_slice %arg11[%mul3A_6] : memref<49152xf32, #tpu.memory_space<hbm>> -> memref<6144xf32, #tpu.memory_space<hbm>>
        tpu.wait_dma2 semaphore(%run_scoped3A : memref<!tpu.dma_semaphore, #tpu.memory_space<semaphore_mem>>) src(%arg16 : memref<6144xf32, #tpu.memory_space<vmem>>) dst(%dma_wait3A_49 : memref<6144xf32, #tpu.memory_space<hbm>>)
        tpu.yield
      }) : () -> ()
      "tpu.region"() ({
        %run_scoped3A = tpu.sem_alloc : memref<!tpu.dma_semaphore, #tpu.memory_space<semaphore_mem>>
        %dma_start3A = tpu.memref_slice %arg7[%mul3A_4] : memref<163840xf32, #tpu.memory_space<hbm>> -> memref<20480xf32, #tpu.memory_space<hbm>>
        %dma_start3A_48 = tpu.memref_slice %arg7[%mul3A_4] : memref<163840xf32, #tpu.memory_space<hbm>> -> memref<20480xf32, #tpu.memory_space<hbm>>
        tpu.enqueue_dma source(%dma_start3A_48 : memref<20480xf32, #tpu.memory_space<hbm>>) target(%arg13 : memref<20480xf32, #tpu.memory_space<vmem>>) target_semaphore(%run_scoped3A : memref<!tpu.dma_semaphore, #tpu.memory_space<semaphore_mem>>)
        %dma_wait3A = tpu.memref_slice %arg7[%mul3A_4] : memref<163840xf32, #tpu.memory_space<hbm>> -> memref<20480xf32, #tpu.memory_space<hbm>>
        %dma_wait3A_49 = tpu.memref_slice %arg7[%mul3A_4] : memref<163840xf32, #tpu.memory_space<hbm>> -> memref<20480xf32, #tpu.memory_space<hbm>>
        tpu.wait_dma2 semaphore(%run_scoped3A : memref<!tpu.dma_semaphore, #tpu.memory_space<semaphore_mem>>) src(%dma_wait3A_49 : memref<20480xf32, #tpu.memory_space<hbm>>) dst(%arg13 : memref<20480xf32, #tpu.memory_space<vmem>>)
        tpu.yield
      }) : () -> ()
      %scan3A_42 = arith.constant 0 : i32
      %scan3A_43 = arith.constant 0 : i32
      %scan3A_44 = arith.constant 384 : i32
      %scan3A_45 = arith.addi %scan3A_43, %scan3A_44 : i32
      %scan3A_46 = arith.constant 1 : i32
      scf.for %scan3A_48 = %scan3A_43 to %scan3A_45 step %scan3A_46  : i32 {
        %mul3A_49 = arith.constant 16 : i32
        %mul3A_50 = arith.muli %scan3A_48, %mul3A_49 : i32
        %get3A = arith.index_cast %mul3A_50 : i32 to index
        %get3A_51 = tpu.vector_load %arg15[%get3A] {strides = array<i32>} : memref<6144xi32, #tpu.memory_space<vmem>>, vector<16xi32>,
        %gather3A = tpu.vector_load_idx %arg13[%get3A_51] : memref<20480xf32, #tpu.memory_space<vmem>>[vector<16xi32>], vector<16xf32>,
        %mul3A_52 = arith.constant 16 : i32
        %mul3A_53 = arith.muli %scan3A_48, %mul3A_52 : i32
        %swap3A = arith.index_cast %mul3A_53 : i32 to index
        %swap3A_54 = tpu.vector_load %arg16[%swap3A] {strides = array<i32>} : memref<6144xf32, #tpu.memory_space<vmem>>, vector<16xf32>,
        tpu.vector_store %arg16[%swap3A], %gather3A {strides = array<i32>} : memref<6144xf32, #tpu.memory_space<vmem>>, vector<16xf32>,
      }
      %scan3A_47 = arith.constant 384 : i32
      "tpu.region"() ({
        %run_scoped3A = tpu.sem_alloc : memref<!tpu.dma_semaphore, #tpu.memory_space<semaphore_mem>>
        %dma_start3A = tpu.memref_slice %arg12[%mul3A_6] : memref<49152xf32, #tpu.memory_space<hbm>> -> memref<6144xf32, #tpu.memory_space<hbm>>
        %dma_start3A_48 = tpu.memref_slice %arg12[%mul3A_6] : memref<49152xf32, #tpu.memory_space<hbm>> -> memref<6144xf32, #tpu.memory_space<hbm>>
        tpu.enqueue_dma source(%arg16 : memref<6144xf32, #tpu.memory_space<vmem>>) target(%dma_start3A_48 : memref<6144xf32, #tpu.memory_space<hbm>>) target_semaphore(%run_scoped3A : memref<!tpu.dma_semaphore, #tpu.memory_space<semaphore_mem>>)
        %dma_wait3A = tpu.memref_slice %arg12[%mul3A_6] : memref<49152xf32, #tpu.memory_space<hbm>> -> memref<6144xf32, #tpu.memory_space<hbm>>
        %dma_wait3A_49 = tpu.memref_slice %arg12[%mul3A_6] : memref<49152xf32, #tpu.memory_space<hbm>> -> memref<6144xf32, #tpu.memory_space<hbm>>
        tpu.wait_dma2 semaphore(%run_scoped3A : memref<!tpu.dma_semaphore, #tpu.memory_space<semaphore_mem>>) src(%arg16 : memref<6144xf32, #tpu.memory_space<vmem>>) dst(%dma_wait3A_49 : memref<6144xf32, #tpu.memory_space<hbm>>)
        tpu.yield
      }) : () -> ()
    } else {
    }
    return
  }
}

module attributes {stable_mosaic.version = 14 : i64} {
  func.func @_decode_kernel(%arg0: i32, %arg1: memref<1x160x128xf32, #tpu.memory_space<vmem>>, %arg2: memref<1x4x160x128xf32, #tpu.memory_space<vmem>>, %arg3: memref<1x4x160x128xf32, #tpu.memory_space<vmem>>, %arg4: memref<1x160x128xf32, #tpu.memory_space<vmem>>, %arg5: memref<1x160x128xi32, #tpu.memory_space<vmem>>, %arg6: memref<1x160x128xf32, #tpu.memory_space<vmem>>, %arg7: memref<1x160x128xf32, #tpu.memory_space<vmem>>, %arg8: memref<1x160x128xf32, #tpu.memory_space<vmem>>, %arg9: memref<1x160x128xf32, #tpu.memory_space<vmem>>) attributes {dimension_semantics = [#tpu.dimension_semantics<arbitrary>], iteration_bounds = array<i64: 8>, scalar_prefetch = 0 : i64, scratch_operands = 0 : i64, tpu.core_type = #tpu.core_type<tc>, window_params = [{transform_indices = @transform_0, window_bounds = array<i64: 1, 160, 128>}, {transform_indices = @transform_1, window_bounds = array<i64: 1, 4, 160, 128>}, {transform_indices = @transform_2, window_bounds = array<i64: 1, 4, 160, 128>}, {transform_indices = @transform_3, window_bounds = array<i64: 1, 160, 128>}, {transform_indices = @transform_4, window_bounds = array<i64: 1, 160, 128>}, {transform_indices = @transform_5, window_bounds = array<i64: 1, 160, 128>}, {transform_indices = @transform_6, window_bounds = array<i64: 1, 160, 128>}, {transform_indices = @transform_7, window_bounds = array<i64: 1, 160, 128>}, {transform_indices = @transform_8, window_bounds = array<i64: 1, 160, 128>}]} {
    %get3A = arith.constant 0 : index
    %get3A_0 = arith.constant 0 : index
    %get3A_1 = arith.constant 0 : index
    %get3A_2 = arith.constant 0 : index
    %get3A_3 = vector.load %arg2[%get3A, %get3A_0, %get3A_1, %get3A_2] : memref<1x4x160x128xf32, #tpu.memory_space<vmem>>, vector<1x1x160x128xf32>
    %get3A_4 = vector.shape_cast %get3A_3 : vector<1x1x160x128xf32> to vector<160x128xf32>
    %get3A_5 = arith.constant 0 : index
    %get3A_6 = arith.constant 1 : index
    %get3A_7 = arith.constant 0 : index
    %get3A_8 = arith.constant 0 : index
    %get3A_9 = vector.load %arg2[%get3A_5, %get3A_6, %get3A_7, %get3A_8] : memref<1x4x160x128xf32, #tpu.memory_space<vmem>>, vector<1x1x160x128xf32>
    %get3A_10 = vector.shape_cast %get3A_9 : vector<1x1x160x128xf32> to vector<160x128xf32>
    %get3A_11 = arith.constant 0 : index
    %get3A_12 = arith.constant 2 : index
    %get3A_13 = arith.constant 0 : index
    %get3A_14 = arith.constant 0 : index
    %get3A_15 = vector.load %arg2[%get3A_11, %get3A_12, %get3A_13, %get3A_14] : memref<1x4x160x128xf32, #tpu.memory_space<vmem>>, vector<1x1x160x128xf32>
    %get3A_16 = vector.shape_cast %get3A_15 : vector<1x1x160x128xf32> to vector<160x128xf32>
    %get3A_17 = arith.constant 0 : index
    %get3A_18 = arith.constant 3 : index
    %get3A_19 = arith.constant 0 : index
    %get3A_20 = arith.constant 0 : index
    %get3A_21 = vector.load %arg2[%get3A_17, %get3A_18, %get3A_19, %get3A_20] : memref<1x4x160x128xf32, #tpu.memory_space<vmem>>, vector<1x1x160x128xf32>
    %get3A_22 = vector.shape_cast %get3A_21 : vector<1x1x160x128xf32> to vector<160x128xf32>
    %get3A_23 = arith.constant 0 : index
    %get3A_24 = arith.constant 0 : index
    %get3A_25 = arith.constant 0 : index
    %get3A_26 = arith.constant 0 : index
    %get3A_27 = vector.load %arg3[%get3A_23, %get3A_24, %get3A_25, %get3A_26] : memref<1x4x160x128xf32, #tpu.memory_space<vmem>>, vector<1x1x160x128xf32>
    %get3A_28 = vector.shape_cast %get3A_27 : vector<1x1x160x128xf32> to vector<160x128xf32>
    %mul3A = arith.constant 1.000000e-01 : f32
    %mul3A_29 = vector.broadcast %mul3A : f32 to vector<160x128xf32>
    %mul3A_30 = arith.mulf %get3A_28, %mul3A_29 : vector<160x128xf32>
    %get3A_31 = arith.constant 0 : index
    %get3A_32 = arith.constant 1 : index
    %get3A_33 = arith.constant 0 : index
    %get3A_34 = arith.constant 0 : index
    %get3A_35 = vector.load %arg3[%get3A_31, %get3A_32, %get3A_33, %get3A_34] : memref<1x4x160x128xf32, #tpu.memory_space<vmem>>, vector<1x1x160x128xf32>
    %get3A_36 = vector.shape_cast %get3A_35 : vector<1x1x160x128xf32> to vector<160x128xf32>
    %mul3A_37 = arith.constant 1.000000e-01 : f32
    %mul3A_38 = vector.broadcast %mul3A_37 : f32 to vector<160x128xf32>
    %mul3A_39 = arith.mulf %get3A_36, %mul3A_38 : vector<160x128xf32>
    %get3A_40 = arith.constant 0 : index
    %get3A_41 = arith.constant 2 : index
    %get3A_42 = arith.constant 0 : index
    %get3A_43 = arith.constant 0 : index
    %get3A_44 = vector.load %arg3[%get3A_40, %get3A_41, %get3A_42, %get3A_43] : memref<1x4x160x128xf32, #tpu.memory_space<vmem>>, vector<1x1x160x128xf32>
    %get3A_45 = vector.shape_cast %get3A_44 : vector<1x1x160x128xf32> to vector<160x128xf32>
    %mul3A_46 = arith.constant 2.000000e-01 : f32
    %mul3A_47 = vector.broadcast %mul3A_46 : f32 to vector<160x128xf32>
    %mul3A_48 = arith.mulf %get3A_45, %mul3A_47 : vector<160x128xf32>
    %get3A_49 = arith.constant 0 : index
    %get3A_50 = arith.constant 3 : index
    %get3A_51 = arith.constant 0 : index
    %get3A_52 = arith.constant 0 : index
    %get3A_53 = vector.load %arg3[%get3A_49, %get3A_50, %get3A_51, %get3A_52] : memref<1x4x160x128xf32, #tpu.memory_space<vmem>>, vector<1x1x160x128xf32>
    %get3A_54 = vector.shape_cast %get3A_53 : vector<1x1x160x128xf32> to vector<160x128xf32>
    %mul3A_55 = arith.constant 2.000000e-01 : f32
    %mul3A_56 = vector.broadcast %mul3A_55 : f32 to vector<160x128xf32>
    %mul3A_57 = arith.mulf %get3A_54, %mul3A_56 : vector<160x128xf32>
    %sub3A = arith.subf %get3A_16, %get3A_4 : vector<160x128xf32>
    %sub3A_58 = arith.subf %get3A_22, %get3A_10 : vector<160x128xf32>
    %mul3A_59 = arith.constant 5.000000e-01 : f32
    %mul3A_60 = vector.broadcast %mul3A_59 : f32 to vector<160x128xf32>
    %mul3A_61 = arith.mulf %mul3A_60, %sub3A : vector<160x128xf32>
    %add3A = arith.addf %get3A_4, %mul3A_61 : vector<160x128xf32>
    %mul3A_62 = arith.mulf %mul3A_30, %sub3A : vector<160x128xf32>
    %add3A_63 = arith.addf %add3A, %mul3A_62 : vector<160x128xf32>
    %mul3A_64 = arith.constant 5.000000e-01 : f32
    %mul3A_65 = vector.broadcast %mul3A_64 : f32 to vector<160x128xf32>
    %mul3A_66 = arith.mulf %mul3A_65, %sub3A_58 : vector<160x128xf32>
    %add3A_67 = arith.addf %get3A_10, %mul3A_66 : vector<160x128xf32>
    %mul3A_68 = arith.mulf %mul3A_39, %sub3A_58 : vector<160x128xf32>
    %add3A_69 = arith.addf %add3A_67, %mul3A_68 : vector<160x128xf32>
    %exp3A = math.exp %mul3A_48 : vector<160x128xf32>
    %mul3A_70 = arith.mulf %sub3A, %exp3A : vector<160x128xf32>
    %exp3A_71 = math.exp %mul3A_57 : vector<160x128xf32>
    %mul3A_72 = arith.mulf %sub3A_58, %exp3A_71 : vector<160x128xf32>
    %mul3A_73 = arith.constant 5.000000e-01 : f32
    %mul3A_74 = vector.broadcast %mul3A_73 : f32 to vector<160x128xf32>
    %mul3A_75 = arith.mulf %mul3A_74, %mul3A_70 : vector<160x128xf32>
    %sub3A_76 = arith.subf %add3A_63, %mul3A_75 : vector<160x128xf32>
    %mul3A_77 = arith.constant 5.000000e-01 : f32
    %mul3A_78 = vector.broadcast %mul3A_77 : f32 to vector<160x128xf32>
    %mul3A_79 = arith.mulf %mul3A_78, %mul3A_72 : vector<160x128xf32>
    %sub3A_80 = arith.subf %add3A_69, %mul3A_79 : vector<160x128xf32>
    %jit3A = arith.constant 0.000000e+00 : f32
    %jit3A_81 = arith.constant 1.000000e+00 : f32
    %max3A = vector.broadcast %jit3A : f32 to vector<160x128xf32>
    %max3A_82 = arith.maximumf %max3A, %sub3A_76 : vector<160x128xf32>
    %min3A = vector.broadcast %jit3A_81 : f32 to vector<160x128xf32>
    %min3A_83 = arith.minimumf %min3A, %max3A_82 : vector<160x128xf32>
    %swap3A = arith.constant 0 : index
    %swap3A_84 = arith.constant 0 : index
    %swap3A_85 = arith.constant 0 : index
    %swap3A_86 = vector.load %arg6[%swap3A, %swap3A_84, %swap3A_85] : memref<1x160x128xf32, #tpu.memory_space<vmem>>, vector<1x160x128xf32>
    %swap3A_87 = vector.shape_cast %swap3A_86 : vector<1x160x128xf32> to vector<160x128xf32>
    %swap3A_88 = vector.shape_cast %min3A_83 : vector<160x128xf32> to vector<1x160x128xf32>
    tpu.vector_store %arg6[%swap3A, %swap3A_84, %swap3A_85], %swap3A_88 {strides = array<i32>} : memref<1x160x128xf32, #tpu.memory_space<vmem>>, vector<1x160x128xf32>,
    %jit3A_89 = arith.constant 0.000000e+00 : f32
    %jit3A_90 = arith.constant 1.000000e+00 : f32
    %max3A_91 = vector.broadcast %jit3A_89 : f32 to vector<160x128xf32>
    %max3A_92 = arith.maximumf %max3A_91, %sub3A_80 : vector<160x128xf32>
    %min3A_93 = vector.broadcast %jit3A_90 : f32 to vector<160x128xf32>
    %min3A_94 = arith.minimumf %min3A_93, %max3A_92 : vector<160x128xf32>
    %swap3A_95 = arith.constant 0 : index
    %swap3A_96 = arith.constant 0 : index
    %swap3A_97 = arith.constant 0 : index
    %swap3A_98 = vector.load %arg7[%swap3A_95, %swap3A_96, %swap3A_97] : memref<1x160x128xf32, #tpu.memory_space<vmem>>, vector<1x160x128xf32>
    %swap3A_99 = vector.shape_cast %swap3A_98 : vector<1x160x128xf32> to vector<160x128xf32>
    %swap3A_100 = vector.shape_cast %min3A_94 : vector<160x128xf32> to vector<1x160x128xf32>
    tpu.vector_store %arg7[%swap3A_95, %swap3A_96, %swap3A_97], %swap3A_100 {strides = array<i32>} : memref<1x160x128xf32, #tpu.memory_space<vmem>>, vector<1x160x128xf32>,
    %add3A_101 = arith.addf %sub3A_76, %mul3A_70 : vector<160x128xf32>
    %jit3A_102 = arith.constant 0.000000e+00 : f32
    %jit3A_103 = arith.constant 1.000000e+00 : f32
    %max3A_104 = vector.broadcast %jit3A_102 : f32 to vector<160x128xf32>
    %max3A_105 = arith.maximumf %max3A_104, %add3A_101 : vector<160x128xf32>
    %min3A_106 = vector.broadcast %jit3A_103 : f32 to vector<160x128xf32>
    %min3A_107 = arith.minimumf %min3A_106, %max3A_105 : vector<160x128xf32>
    %swap3A_108 = arith.constant 0 : index
    %swap3A_109 = arith.constant 0 : index
    %swap3A_110 = arith.constant 0 : index
    %swap3A_111 = vector.load %arg8[%swap3A_108, %swap3A_109, %swap3A_110] : memref<1x160x128xf32, #tpu.memory_space<vmem>>, vector<1x160x128xf32>
    %swap3A_112 = vector.shape_cast %swap3A_111 : vector<1x160x128xf32> to vector<160x128xf32>
    %swap3A_113 = vector.shape_cast %min3A_107 : vector<160x128xf32> to vector<1x160x128xf32>
    tpu.vector_store %arg8[%swap3A_108, %swap3A_109, %swap3A_110], %swap3A_113 {strides = array<i32>} : memref<1x160x128xf32, #tpu.memory_space<vmem>>, vector<1x160x128xf32>,
    %add3A_114 = arith.addf %sub3A_80, %mul3A_72 : vector<160x128xf32>
    %jit3A_115 = arith.constant 0.000000e+00 : f32
    %jit3A_116 = arith.constant 1.000000e+00 : f32
    %max3A_117 = vector.broadcast %jit3A_115 : f32 to vector<160x128xf32>
    %max3A_118 = arith.maximumf %max3A_117, %add3A_114 : vector<160x128xf32>
    %min3A_119 = vector.broadcast %jit3A_116 : f32 to vector<160x128xf32>
    %min3A_120 = arith.minimumf %min3A_119, %max3A_118 : vector<160x128xf32>
    %swap3A_121 = arith.constant 0 : index
    %swap3A_122 = arith.constant 0 : index
    %swap3A_123 = arith.constant 0 : index
    %swap3A_124 = vector.load %arg9[%swap3A_121, %swap3A_122, %swap3A_123] : memref<1x160x128xf32, #tpu.memory_space<vmem>>, vector<1x160x128xf32>
    %swap3A_125 = vector.shape_cast %swap3A_124 : vector<1x160x128xf32> to vector<160x128xf32>
    %swap3A_126 = vector.shape_cast %min3A_120 : vector<160x128xf32> to vector<1x160x128xf32>
    tpu.vector_store %arg9[%swap3A_121, %swap3A_122, %swap3A_123], %swap3A_126 {strides = array<i32>} : memref<1x160x128xf32, #tpu.memory_space<vmem>>, vector<1x160x128xf32>,
    %get3A_127 = arith.constant 0 : index
    %get3A_128 = arith.constant 0 : index
    %get3A_129 = arith.constant 0 : index
    %get3A_130 = vector.load %arg1[%get3A_127, %get3A_128, %get3A_129] : memref<1x160x128xf32, #tpu.memory_space<vmem>>, vector<1x160x128xf32>
    %get3A_131 = vector.shape_cast %get3A_130 : vector<1x160x128xf32> to vector<160x128xf32>
    %bitcast_convert_type3A = tpu.bitcast %get3A_131 : vector<160x128xf32> -> vector<160x128xi32>
    %iota3A = tpu.iota {dimensions = array<i32: 0>} : vector<160x128xi32>
    %mul3A_132 = arith.constant 128 : i32
    %mul3A_133 = vector.broadcast %mul3A_132 : i32 to vector<160x128xi32>
    %mul3A_134 = arith.muli %iota3A, %mul3A_133 : vector<160x128xi32>
    %iota3A_135 = tpu.iota {dimensions = array<i32: 1>} : vector<160x128xi32>
    %add3A_136 = arith.addi %mul3A_134, %iota3A_135 : vector<160x128xi32>
    %scan3A = arith.constant 0 : i32
    %scan3A_137 = arith.constant 1065353216 : i32
    %scan3A_138 = arith.constant 0 : i32
    %scan3A_139 = arith.constant 31 : i32
    %scan3A_140 = arith.addi %scan3A_138, %scan3A_139 : i32
    %scan3A_141 = arith.constant 1 : i32
    %scan3A_142:2 = scf.for %scan3A_209 = %scan3A_138 to %scan3A_140 step %scan3A_141 iter_args(%scan3A_210 = %scan3A, %scan3A_211 = %scan3A_137) -> (i32, i32)  : i32 {
      %add3A_212 = arith.addi %scan3A_210, %scan3A_211 : i32
      %jit3A_213 = arith.constant 2 : i32
      %div3A = arith.divsi %add3A_212, %jit3A_213 : i32
      %sign3A = arith.constant 0 : i32
      %sign3A_214 = arith.cmpi sgt, %add3A_212, %sign3A : i32
      %sign3A_215 = arith.extui %sign3A_214 : i1 to i32
      %sign3A_216 = arith.constant 0 : i32
      %sign3A_217 = arith.cmpi slt, %add3A_212, %sign3A_216 : i32
      %sign3A_218 = arith.extui %sign3A_217 : i1 to i32
      %sign3A_219 = arith.subi %sign3A_215, %sign3A_218 : i32
      %sign3A_220 = arith.constant 0 : i32
      %sign3A_221 = arith.cmpi sgt, %jit3A_213, %sign3A_220 : i32
      %sign3A_222 = arith.extui %sign3A_221 : i1 to i32
      %sign3A_223 = arith.constant 0 : i32
      %sign3A_224 = arith.cmpi slt, %jit3A_213, %sign3A_223 : i32
      %sign3A_225 = arith.extui %sign3A_224 : i1 to i32
      %sign3A_226 = arith.subi %sign3A_222, %sign3A_225 : i32
      %ne3A = arith.cmpi ne, %sign3A_219, %sign3A_226 : i32
      %rem3A = arith.remsi %add3A_212, %jit3A_213 : i32
      %ne3A_227 = arith.constant 0 : i32
      %ne3A_228 = arith.cmpi ne, %rem3A, %ne3A_227 : i32
      %and3A_229 = arith.andi %ne3A, %ne3A_228 : i1
      %sub3A_230 = arith.constant 1 : i32
      %sub3A_231 = arith.subi %div3A, %sub3A_230 : i32
      %select_n3A_232 = arith.select %and3A_229, %sub3A_231, %div3A : i32
      %ge3A = vector.broadcast %select_n3A_232 : i32 to vector<160x128xi32>
      %ge3A_233 = arith.cmpi sge, %bitcast_convert_type3A, %ge3A : vector<160x128xi32>
      %jit3A_234 = arith.constant 1 : i32
      %jit3A_235 = arith.constant 0 : i32
      %broadcast_in_dim3A_236 = vector.broadcast %jit3A_234 : i32 to vector<160x128xi32>
      %broadcast_in_dim3A_237 = vector.broadcast %jit3A_235 : i32 to vector<160x128xi32>
      %select_n3A_238 = arith.select %ge3A_233, %broadcast_in_dim3A_236, %broadcast_in_dim3A_237 : vector<160x128xi1>, vector<160x128xi32>
      %reduce_sum3A_239 = vector.shape_cast %select_n3A_238 : vector<160x128xi32> to vector<1x160x128xi32>
      %reduce_sum3A_240 = arith.constant dense<0> : vector<1xi32>
      %reduce_sum3A_241 = vector.multi_reduction <add>, %reduce_sum3A_239, %reduce_sum3A_240 [1, 2] : vector<1x160x128xi32> to vector<1xi32>
      %reduce_sum3A_242 = vector.shape_cast %reduce_sum3A_241 : vector<1xi32> to vector<1x1x1xi32>
      %reduce_sum3A_243 = vector.extract %reduce_sum3A_242[0, 0, 0] : i32 from vector<1x1x1xi32>
      %ge3A_244 = arith.constant 6000 : i32
      %ge3A_245 = arith.cmpi sge, %reduce_sum3A_243, %ge3A_244 : i32
      %select_n3A_246 = arith.select %ge3A_245, %select_n3A_232, %scan3A_210 : i32
      %select_n3A_247 = arith.select %ge3A_245, %scan3A_211, %select_n3A_232 : i32
      scf.yield %select_n3A_246, %select_n3A_247 : i32, i32
    }
    %gt3A = vector.broadcast %scan3A_142#0 : i32 to vector<160x128xi32>
    %gt3A_143 = arith.cmpi sgt, %bitcast_convert_type3A, %gt3A : vector<160x128xi32>
    %jit3A_144 = arith.constant 1 : i32
    %jit3A_145 = arith.constant 0 : i32
    %broadcast_in_dim3A = vector.broadcast %jit3A_144 : i32 to vector<160x128xi32>
    %broadcast_in_dim3A_146 = vector.broadcast %jit3A_145 : i32 to vector<160x128xi32>
    %select_n3A = arith.select %gt3A_143, %broadcast_in_dim3A, %broadcast_in_dim3A_146 : vector<160x128xi1>, vector<160x128xi32>
    %reduce_sum3A = vector.shape_cast %select_n3A : vector<160x128xi32> to vector<1x160x128xi32>
    %reduce_sum3A_147 = arith.constant dense<0> : vector<1xi32>
    %reduce_sum3A_148 = vector.multi_reduction <add>, %reduce_sum3A, %reduce_sum3A_147 [1, 2] : vector<1x160x128xi32> to vector<1xi32>
    %reduce_sum3A_149 = vector.shape_cast %reduce_sum3A_148 : vector<1xi32> to vector<1x1x1xi32>
    %reduce_sum3A_150 = vector.extract %reduce_sum3A_149[0, 0, 0] : i32 from vector<1x1x1xi32>
    %sub3A_151 = arith.constant 6000 : i32
    %sub3A_152 = arith.subi %sub3A_151, %reduce_sum3A_150 : i32
    %eq3A = vector.broadcast %scan3A_142#0 : i32 to vector<160x128xi32>
    %eq3A_153 = arith.cmpi eq, %bitcast_convert_type3A, %eq3A : vector<160x128xi32>
    %scan3A_154 = arith.constant 0 : i32
    %scan3A_155 = arith.constant 20480 : i32
    %scan3A_156 = arith.constant 0 : i32
    %scan3A_157 = arith.constant 15 : i32
    %scan3A_158 = arith.addi %scan3A_156, %scan3A_157 : i32
    %scan3A_159 = arith.constant 1 : i32
    %scan3A_160:2 = scf.for %scan3A_209 = %scan3A_156 to %scan3A_158 step %scan3A_159 iter_args(%scan3A_210 = %scan3A_154, %scan3A_211 = %scan3A_155) -> (i32, i32)  : i32 {
      %add3A_212 = arith.addi %scan3A_210, %scan3A_211 : i32
      %jit3A_213 = arith.constant 2 : i32
      %div3A = arith.divsi %add3A_212, %jit3A_213 : i32
      %sign3A = arith.constant 0 : i32
      %sign3A_214 = arith.cmpi sgt, %add3A_212, %sign3A : i32
      %sign3A_215 = arith.extui %sign3A_214 : i1 to i32
      %sign3A_216 = arith.constant 0 : i32
      %sign3A_217 = arith.cmpi slt, %add3A_212, %sign3A_216 : i32
      %sign3A_218 = arith.extui %sign3A_217 : i1 to i32
      %sign3A_219 = arith.subi %sign3A_215, %sign3A_218 : i32
      %sign3A_220 = arith.constant 0 : i32
      %sign3A_221 = arith.cmpi sgt, %jit3A_213, %sign3A_220 : i32
      %sign3A_222 = arith.extui %sign3A_221 : i1 to i32
      %sign3A_223 = arith.constant 0 : i32
      %sign3A_224 = arith.cmpi slt, %jit3A_213, %sign3A_223 : i32
      %sign3A_225 = arith.extui %sign3A_224 : i1 to i32
      %sign3A_226 = arith.subi %sign3A_222, %sign3A_225 : i32
      %ne3A = arith.cmpi ne, %sign3A_219, %sign3A_226 : i32
      %rem3A = arith.remsi %add3A_212, %jit3A_213 : i32
      %ne3A_227 = arith.constant 0 : i32
      %ne3A_228 = arith.cmpi ne, %rem3A, %ne3A_227 : i32
      %and3A_229 = arith.andi %ne3A, %ne3A_228 : i1
      %sub3A_230 = arith.constant 1 : i32
      %sub3A_231 = arith.subi %div3A, %sub3A_230 : i32
      %select_n3A_232 = arith.select %and3A_229, %sub3A_231, %div3A : i32
      %lt3A_233 = vector.broadcast %select_n3A_232 : i32 to vector<160x128xi32>
      %lt3A_234 = arith.cmpi slt, %add3A_136, %lt3A_233 : vector<160x128xi32>
      %and3A_235 = arith.andi %eq3A_153, %lt3A_234 : vector<160x128xi1>
      %jit3A_236 = arith.constant 1 : i32
      %jit3A_237 = arith.constant 0 : i32
      %broadcast_in_dim3A_238 = vector.broadcast %jit3A_236 : i32 to vector<160x128xi32>
      %broadcast_in_dim3A_239 = vector.broadcast %jit3A_237 : i32 to vector<160x128xi32>
      %select_n3A_240 = arith.select %and3A_235, %broadcast_in_dim3A_238, %broadcast_in_dim3A_239 : vector<160x128xi1>, vector<160x128xi32>
      %reduce_sum3A_241 = vector.shape_cast %select_n3A_240 : vector<160x128xi32> to vector<1x160x128xi32>
      %reduce_sum3A_242 = arith.constant dense<0> : vector<1xi32>
      %reduce_sum3A_243 = vector.multi_reduction <add>, %reduce_sum3A_241, %reduce_sum3A_242 [1, 2] : vector<1x160x128xi32> to vector<1xi32>
      %reduce_sum3A_244 = vector.shape_cast %reduce_sum3A_243 : vector<1xi32> to vector<1x1x1xi32>
      %reduce_sum3A_245 = vector.extract %reduce_sum3A_244[0, 0, 0] : i32 from vector<1x1x1xi32>
      %ge3A = arith.cmpi sge, %reduce_sum3A_245, %sub3A_152 : i32
      %select_n3A_246 = arith.select %ge3A, %scan3A_210, %select_n3A_232 : i32
      %select_n3A_247 = arith.select %ge3A, %select_n3A_232, %scan3A_211 : i32
      scf.yield %select_n3A_246, %select_n3A_247 : i32, i32
    }
    %gt3A_161 = vector.broadcast %scan3A_142#0 : i32 to vector<160x128xi32>
    %gt3A_162 = arith.cmpi sgt, %bitcast_convert_type3A, %gt3A_161 : vector<160x128xi32>
    %lt3A = vector.broadcast %scan3A_160#1 : i32 to vector<160x128xi32>
    %lt3A_163 = arith.cmpi slt, %add3A_136, %lt3A : vector<160x128xi32>
    %and3A = arith.andi %eq3A_153, %lt3A_163 : vector<160x128xi1>
    %or3A = arith.ori %gt3A_162, %and3A : vector<160x128xi1>
    %jit3A_164 = arith.constant -1.000000e+00 : f32
    %broadcast_in_dim3A_165 = vector.broadcast %jit3A_164 : f32 to vector<160x128xf32>
    %select_n3A_166 = arith.select %or3A, %get3A_131, %broadcast_in_dim3A_165 : vector<160x128xi1>, vector<160x128xf32>
    %swap3A_167 = arith.constant 0 : index
    %swap3A_168 = arith.constant 0 : index
    %swap3A_169 = arith.constant 0 : index
    %swap3A_170 = vector.load %arg4[%swap3A_167, %swap3A_168, %swap3A_169] : memref<1x160x128xf32, #tpu.memory_space<vmem>>, vector<1x160x128xf32>
    %swap3A_171 = vector.shape_cast %swap3A_170 : vector<1x160x128xf32> to vector<160x128xf32>
    %swap3A_172 = vector.shape_cast %select_n3A_166 : vector<160x128xf32> to vector<1x160x128xf32>
    tpu.vector_store %arg4[%swap3A_167, %swap3A_168, %swap3A_169], %swap3A_172 {strides = array<i32>} : memref<1x160x128xf32, #tpu.memory_space<vmem>>, vector<1x160x128xf32>,
    %jit3A_173 = arith.constant 1.000000e+00 : f32
    %jit3A_174 = arith.constant 0.000000e+00 : f32
    %broadcast_in_dim3A_175 = vector.broadcast %jit3A_173 : f32 to vector<160x128xf32>
    %broadcast_in_dim3A_176 = vector.broadcast %jit3A_174 : f32 to vector<160x128xf32>
    %select_n3A_177 = arith.select %or3A, %broadcast_in_dim3A_175, %broadcast_in_dim3A_176 : vector<160x128xi1>, vector<160x128xf32>
    %iota3A_178 = tpu.iota {dimensions = array<i32: 0>} : vector<128x128xi32>
    %iota3A_179 = tpu.iota {dimensions = array<i32: 1>} : vector<128x128xi32>
    %le3A = arith.cmpi sle, %iota3A_178, %iota3A_179 : vector<128x128xi32>
    %jit3A_180 = arith.constant 1.000000e+00 : f32
    %jit3A_181 = arith.constant 0.000000e+00 : f32
    %broadcast_in_dim3A_182 = vector.broadcast %jit3A_180 : f32 to vector<128x128xf32>
    %broadcast_in_dim3A_183 = vector.broadcast %jit3A_181 : f32 to vector<128x128xf32>
    %select_n3A_184 = arith.select %le3A, %broadcast_in_dim3A_182, %broadcast_in_dim3A_183 : vector<128x128xi1>, vector<128x128xf32>
    %dot_general3A = arith.constant dense<0.000000e+00> : vector<160x128xf32>
    %dot_general3A_185 = tpu.matmul %select_n3A_177, %select_n3A_184, %dot_general3A {dimension_numbers = #tpu.dot_dimension_numbers<[1], [0], [0], [1], [0, 0, 1, 1], [], []>, transpose_lhs_hint = false} : vector<160x128xf32>, vector<128x128xf32>, vector<160x128xf32> -> vector<160x128xf32>
    %reduce_sum3A_186 = arith.constant dense<0.000000e+00> : vector<160xf32>
    %reduce_sum3A_187 = vector.multi_reduction <add>, %select_n3A_177, %reduce_sum3A_186 [1] : vector<160x128xf32> to vector<160xf32>
    %broadcast_in_dim3A_188 = vector.shape_cast %reduce_sum3A_187 : vector<160xf32> to vector<160x1xf32>
    %broadcast_in_dim3A_189 = vector.shape_cast %broadcast_in_dim3A_188 : vector<160x1xf32> to vector<160x1xf32>
    %broadcast_in_dim3A_190 = vector.broadcast %broadcast_in_dim3A_189 : vector<160x1xf32> to vector<160x128xf32>
    %iota3A_191 = tpu.iota {dimensions = array<i32: 0>} : vector<160x160xi32>
    %iota3A_192 = tpu.iota {dimensions = array<i32: 1>} : vector<160x160xi32>
    %lt3A_193 = arith.cmpi slt, %iota3A_192, %iota3A_191 : vector<160x160xi32>
    %jit3A_194 = arith.constant 1.000000e+00 : f32
    %jit3A_195 = arith.constant 0.000000e+00 : f32
    %broadcast_in_dim3A_196 = vector.broadcast %jit3A_194 : f32 to vector<160x160xf32>
    %broadcast_in_dim3A_197 = vector.broadcast %jit3A_195 : f32 to vector<160x160xf32>
    %select_n3A_198 = arith.select %lt3A_193, %broadcast_in_dim3A_196, %broadcast_in_dim3A_197 : vector<160x160xi1>, vector<160x160xf32>
    %dot_general3A_199 = arith.constant dense<0.000000e+00> : vector<160x128xf32>
    %dot_general3A_200 = tpu.matmul %select_n3A_198, %broadcast_in_dim3A_190, %dot_general3A_199 {dimension_numbers = #tpu.dot_dimension_numbers<[1], [0], [0], [1], [0, 0, 1, 1], [], []>, transpose_lhs_hint = false} : vector<160x160xf32>, vector<160x128xf32>, vector<160x128xf32> -> vector<160x128xf32>
    %add3A_201 = arith.addf %dot_general3A_185, %dot_general3A_200 : vector<160x128xf32>
    %sub3A_202 = arith.subf %add3A_201, %select_n3A_177 : vector<160x128xf32>
    %convert_element_type3A = arith.fptosi %sub3A_202 : vector<160x128xf32> to vector<160x128xi32>
    %swap3A_203 = arith.constant 0 : index
    %swap3A_204 = arith.constant 0 : index
    %swap3A_205 = arith.constant 0 : index
    %swap3A_206 = vector.load %arg5[%swap3A_203, %swap3A_204, %swap3A_205] : memref<1x160x128xi32, #tpu.memory_space<vmem>>, vector<1x160x128xi32>
    %swap3A_207 = vector.shape_cast %swap3A_206 : vector<1x160x128xi32> to vector<160x128xi32>
    %swap3A_208 = vector.shape_cast %convert_element_type3A : vector<160x128xi32> to vector<1x160x128xi32>
    tpu.vector_store %arg5[%swap3A_203, %swap3A_204, %swap3A_205], %swap3A_208 {strides = array<i32>} : memref<1x160x128xi32, #tpu.memory_space<vmem>>, vector<1x160x128xi32>,
    return
  }
  func.func @transform_0(%arg0: i32) -> (i32, i32, i32) {
    %c0_i32 = arith.constant 0 : i32
    %c0_i32_0 = arith.constant 0 : i32
    %c0_i32_1 = arith.constant 0 : i32
    return %arg0, %c0_i32, %c0_i32_0 : i32, i32, i32
  }
  func.func @transform_1(%arg0: i32) -> (i32, i32, i32, i32) {
    %c0_i32 = arith.constant 0 : i32
    %c0_i32_0 = arith.constant 0 : i32
    %c0_i32_1 = arith.constant 0 : i32
    %c0_i32_2 = arith.constant 0 : i32
    return %arg0, %c0_i32, %c0_i32_0, %c0_i32_1 : i32, i32, i32, i32
  }
  func.func @transform_2(%arg0: i32) -> (i32, i32, i32, i32) {
    %c0_i32 = arith.constant 0 : i32
    %c0_i32_0 = arith.constant 0 : i32
    %c0_i32_1 = arith.constant 0 : i32
    %c0_i32_2 = arith.constant 0 : i32
    return %arg0, %c0_i32, %c0_i32_0, %c0_i32_1 : i32, i32, i32, i32
  }
  func.func @transform_3(%arg0: i32) -> (i32, i32, i32) {
    %c0_i32 = arith.constant 0 : i32
    %c0_i32_0 = arith.constant 0 : i32
    %c0_i32_1 = arith.constant 0 : i32
    return %arg0, %c0_i32, %c0_i32_0 : i32, i32, i32
  }
  func.func @transform_4(%arg0: i32) -> (i32, i32, i32) {
    %c0_i32 = arith.constant 0 : i32
    %c0_i32_0 = arith.constant 0 : i32
    %c0_i32_1 = arith.constant 0 : i32
    return %arg0, %c0_i32, %c0_i32_0 : i32, i32, i32
  }
  func.func @transform_5(%arg0: i32) -> (i32, i32, i32) {
    %c0_i32 = arith.constant 0 : i32
    %c0_i32_0 = arith.constant 0 : i32
    %c0_i32_1 = arith.constant 0 : i32
    return %arg0, %c0_i32, %c0_i32_0 : i32, i32, i32
  }
  func.func @transform_6(%arg0: i32) -> (i32, i32, i32) {
    %c0_i32 = arith.constant 0 : i32
    %c0_i32_0 = arith.constant 0 : i32
    %c0_i32_1 = arith.constant 0 : i32
    return %arg0, %c0_i32, %c0_i32_0 : i32, i32, i32
  }
  func.func @transform_7(%arg0: i32) -> (i32, i32, i32) {
    %c0_i32 = arith.constant 0 : i32
    %c0_i32_0 = arith.constant 0 : i32
    %c0_i32_1 = arith.constant 0 : i32
    return %arg0, %c0_i32, %c0_i32_0 : i32, i32, i32
  }
  func.func @transform_8(%arg0: i32) -> (i32, i32, i32) {
    %c0_i32 = arith.constant 0 : i32
    %c0_i32_0 = arith.constant 0 : i32
    %c0_i32_1 = arith.constant 0 : i32
    return %arg0, %c0_i32, %c0_i32_0 : i32, i32, i32
  }
}

module attributes {stable_mosaic.version = 14 : i64} {
  func.func @_nms_kernel(%arg0: memref<384x128xf32, #tpu.memory_space<vmem>>, %arg1: memref<384x128xf32, #tpu.memory_space<vmem>>, %arg2: memref<384x128xf32, #tpu.memory_space<vmem>>, %arg3: memref<384x128xf32, #tpu.memory_space<vmem>>, %arg4: memref<384x128xf32, #tpu.memory_space<vmem>>, %arg5: memref<8x1000x4xf32, #tpu.memory_space<vmem>>, %arg6: memref<384x128xf32, #tpu.memory_space<vmem>>, %arg7: memref<384x128xf32, #tpu.memory_space<vmem>>, %arg8: memref<384x128xf32, #tpu.memory_space<vmem>>, %arg9: memref<384x128xf32, #tpu.memory_space<vmem>>, %arg10: memref<384x128xf32, #tpu.memory_space<vmem>>, %arg11: memref<384x128xf32, #tpu.memory_space<vmem>>) attributes {dimension_semantics = [], scalar_prefetch = 0 : i64, scratch_operands = 6 : i64, tpu.core_type = #tpu.core_type<tc>} {
    %get3A = arith.constant 0 : index
    %get3A_0 = arith.constant 0 : index
    %get3A_1 = vector.load %arg1[%get3A, %get3A_0] : memref<384x128xf32, #tpu.memory_space<vmem>>, vector<384x128xf32>
    %get3A_2 = arith.constant 0 : index
    %get3A_3 = arith.constant 0 : index
    %get3A_4 = vector.load %arg2[%get3A_2, %get3A_3] : memref<384x128xf32, #tpu.memory_space<vmem>>, vector<384x128xf32>
    %get3A_5 = arith.constant 0 : index
    %get3A_6 = arith.constant 0 : index
    %get3A_7 = vector.load %arg3[%get3A_5, %get3A_6] : memref<384x128xf32, #tpu.memory_space<vmem>>, vector<384x128xf32>
    %get3A_8 = arith.constant 0 : index
    %get3A_9 = arith.constant 0 : index
    %get3A_10 = vector.load %arg4[%get3A_8, %get3A_9] : memref<384x128xf32, #tpu.memory_space<vmem>>, vector<384x128xf32>
    %swap3A = arith.constant 0 : index
    %swap3A_11 = arith.constant 0 : index
    %swap3A_12 = vector.load %arg8[%swap3A, %swap3A_11] : memref<384x128xf32, #tpu.memory_space<vmem>>, vector<384x128xf32>
    tpu.vector_store %arg8[%swap3A, %swap3A_11], %get3A_1 {strides = array<i32>} : memref<384x128xf32, #tpu.memory_space<vmem>>, vector<384x128xf32>,
    %swap3A_13 = arith.constant 0 : index
    %swap3A_14 = arith.constant 0 : index
    %swap3A_15 = vector.load %arg9[%swap3A_13, %swap3A_14] : memref<384x128xf32, #tpu.memory_space<vmem>>, vector<384x128xf32>
    tpu.vector_store %arg9[%swap3A_13, %swap3A_14], %get3A_4 {strides = array<i32>} : memref<384x128xf32, #tpu.memory_space<vmem>>, vector<384x128xf32>,
    %swap3A_16 = arith.constant 0 : index
    %swap3A_17 = arith.constant 0 : index
    %swap3A_18 = vector.load %arg10[%swap3A_16, %swap3A_17] : memref<384x128xf32, #tpu.memory_space<vmem>>, vector<384x128xf32>
    tpu.vector_store %arg10[%swap3A_16, %swap3A_17], %get3A_7 {strides = array<i32>} : memref<384x128xf32, #tpu.memory_space<vmem>>, vector<384x128xf32>,
    %swap3A_19 = arith.constant 0 : index
    %swap3A_20 = arith.constant 0 : index
    %swap3A_21 = vector.load %arg11[%swap3A_19, %swap3A_20] : memref<384x128xf32, #tpu.memory_space<vmem>>, vector<384x128xf32>
    tpu.vector_store %arg11[%swap3A_19, %swap3A_20], %get3A_10 {strides = array<i32>} : memref<384x128xf32, #tpu.memory_space<vmem>>, vector<384x128xf32>,
    %sub3A = arith.subf %get3A_7, %get3A_1 : vector<384x128xf32>
    %max3A = arith.constant 0.000000e+00 : f32
    %max3A_22 = vector.broadcast %max3A : f32 to vector<384x128xf32>
    %max3A_23 = arith.maximumf %sub3A, %max3A_22 : vector<384x128xf32>
    %sub3A_24 = arith.subf %get3A_10, %get3A_4 : vector<384x128xf32>
    %max3A_25 = arith.constant 0.000000e+00 : f32
    %max3A_26 = vector.broadcast %max3A_25 : f32 to vector<384x128xf32>
    %max3A_27 = arith.maximumf %sub3A_24, %max3A_26 : vector<384x128xf32>
    %mul3A = arith.mulf %max3A_23, %max3A_27 : vector<384x128xf32>
    %swap3A_28 = arith.constant 0 : index
    %swap3A_29 = arith.constant 0 : index
    %swap3A_30 = vector.load %arg7[%swap3A_28, %swap3A_29] : memref<384x128xf32, #tpu.memory_space<vmem>>, vector<384x128xf32>
    tpu.vector_store %arg7[%swap3A_28, %swap3A_29], %mul3A {strides = array<i32>} : memref<384x128xf32, #tpu.memory_space<vmem>>, vector<384x128xf32>,
    %get3A_31 = arith.constant 0 : index
    %get3A_32 = arith.constant 0 : index
    %get3A_33 = vector.load %arg0[%get3A_31, %get3A_32] : memref<384x128xf32, #tpu.memory_space<vmem>>, vector<384x128xf32>
    %swap3A_34 = arith.constant 0 : index
    %swap3A_35 = arith.constant 0 : index
    %swap3A_36 = vector.load %arg6[%swap3A_34, %swap3A_35] : memref<384x128xf32, #tpu.memory_space<vmem>>, vector<384x128xf32>
    tpu.vector_store %arg6[%swap3A_34, %swap3A_35], %get3A_33 {strides = array<i32>} : memref<384x128xf32, #tpu.memory_space<vmem>>, vector<384x128xf32>,
    %iota3A = tpu.iota {dimensions = array<i32: 0>} : vector<48x128xi32>
    %mul3A_37 = arith.constant 128 : i32
    %mul3A_38 = vector.broadcast %mul3A_37 : i32 to vector<48x128xi32>
    %mul3A_39 = arith.muli %iota3A, %mul3A_38 : vector<48x128xi32>
    %iota3A_40 = tpu.iota {dimensions = array<i32: 1>} : vector<48x128xi32>
    %add3A = arith.addi %mul3A_39, %iota3A_40 : vector<48x128xi32>
    %iota3A_41 = tpu.iota {dimensions = array<i32: 1>} : vector<1x128xi32>
    %scan3A = arith.constant 0 : i32
    %scan3A_42 = arith.constant 1000 : i32
    %scan3A_43 = arith.addi %scan3A, %scan3A_42 : i32
    %scan3A_44 = arith.constant 1 : i32
    scf.for %scan3A_46 = %scan3A to %scan3A_43 step %scan3A_44  : i32 {
      %get3A_47 = arith.constant 0 : index
      %get3A_48 = arith.constant 0 : index
      %get3A_49 = vector.load %arg6[%get3A_47, %get3A_48] : memref<384x128xf32, #tpu.memory_space<vmem>>, vector<48x128xf32>
      %reduce_max3A = vector.shape_cast %get3A_49 : vector<48x128xf32> to vector<1x48x128xf32>
      %reduce_max3A_50 = arith.constant dense<0xFF800000> : vector<1xf32>
      %reduce_max3A_51 = vector.multi_reduction <maximumf>, %reduce_max3A, %reduce_max3A_50 [1, 2] : vector<1x48x128xf32> to vector<1xf32>
      %reduce_max3A_52 = vector.shape_cast %reduce_max3A_51 : vector<1xf32> to vector<1x1x1xf32>
      %reduce_max3A_53 = vector.extract %reduce_max3A_52[0, 0, 0] : f32 from vector<1x1x1xf32>
      %gt3A = arith.constant 0.000000e+00 : f32
      %gt3A_54 = arith.cmpf ogt, %reduce_max3A_53, %gt3A : f32
      %eq3A = vector.broadcast %reduce_max3A_53 : f32 to vector<48x128xf32>
      %eq3A_55 = arith.cmpf oeq, %get3A_49, %eq3A : vector<48x128xf32>
      %jit3A = arith.constant 6144 : i32
      %broadcast_in_dim3A = vector.broadcast %jit3A : i32 to vector<48x128xi32>
      %select_n3A = arith.select %eq3A_55, %add3A, %broadcast_in_dim3A : vector<48x128xi1>, vector<48x128xi32>
      %reduce_min3A = vector.shape_cast %select_n3A : vector<48x128xi32> to vector<1x48x128xi32>
      %reduce_min3A_56 = arith.constant dense<2147483647> : vector<1xi32>
      %reduce_min3A_57 = vector.multi_reduction <minsi>, %reduce_min3A, %reduce_min3A_56 [1, 2] : vector<1x48x128xi32> to vector<1xi32>
      %reduce_min3A_58 = vector.shape_cast %reduce_min3A_57 : vector<1xi32> to vector<1x1x1xi32>
      %reduce_min3A_59 = vector.extract %reduce_min3A_58[0, 0, 0] : i32 from vector<1x1x1xi32>
      %jit3A_60 = arith.constant 128 : i32
      %div3A = arith.divsi %reduce_min3A_59, %jit3A_60 : i32
      %sign3A = arith.constant 0 : i32
      %sign3A_61 = arith.cmpi sgt, %reduce_min3A_59, %sign3A : i32
      %sign3A_62 = arith.extui %sign3A_61 : i1 to i32
      %sign3A_63 = arith.constant 0 : i32
      %sign3A_64 = arith.cmpi slt, %reduce_min3A_59, %sign3A_63 : i32
      %sign3A_65 = arith.extui %sign3A_64 : i1 to i32
      %sign3A_66 = arith.subi %sign3A_62, %sign3A_65 : i32
      %sign3A_67 = arith.constant 0 : i32
      %sign3A_68 = arith.cmpi sgt, %jit3A_60, %sign3A_67 : i32
      %sign3A_69 = arith.extui %sign3A_68 : i1 to i32
      %sign3A_70 = arith.constant 0 : i32
      %sign3A_71 = arith.cmpi slt, %jit3A_60, %sign3A_70 : i32
      %sign3A_72 = arith.extui %sign3A_71 : i1 to i32
      %sign3A_73 = arith.subi %sign3A_69, %sign3A_72 : i32
      %ne3A = arith.cmpi ne, %sign3A_66, %sign3A_73 : i32
      %rem3A = arith.remsi %reduce_min3A_59, %jit3A_60 : i32
      %ne3A_74 = arith.constant 0 : i32
      %ne3A_75 = arith.cmpi ne, %rem3A, %ne3A_74 : i32
      %and3A = arith.andi %ne3A, %ne3A_75 : i1
      %sub3A_76 = arith.constant 1 : i32
      %sub3A_77 = arith.subi %div3A, %sub3A_76 : i32
      %select_n3A_78 = arith.select %and3A, %sub3A_77, %div3A : i32
      %add3A_79 = arith.constant 0 : i32
      %add3A_80 = arith.addi %add3A_79, %select_n3A_78 : i32
      %jit3A_81 = arith.constant 128 : i32
      %div3A_82 = arith.divsi %reduce_min3A_59, %jit3A_81 : i32
      %sign3A_83 = arith.constant 0 : i32
      %sign3A_84 = arith.cmpi sgt, %reduce_min3A_59, %sign3A_83 : i32
      %sign3A_85 = arith.extui %sign3A_84 : i1 to i32
      %sign3A_86 = arith.constant 0 : i32
      %sign3A_87 = arith.cmpi slt, %reduce_min3A_59, %sign3A_86 : i32
      %sign3A_88 = arith.extui %sign3A_87 : i1 to i32
      %sign3A_89 = arith.subi %sign3A_85, %sign3A_88 : i32
      %sign3A_90 = arith.constant 0 : i32
      %sign3A_91 = arith.cmpi sgt, %jit3A_81, %sign3A_90 : i32
      %sign3A_92 = arith.extui %sign3A_91 : i1 to i32
      %sign3A_93 = arith.constant 0 : i32
      %sign3A_94 = arith.cmpi slt, %jit3A_81, %sign3A_93 : i32
      %sign3A_95 = arith.extui %sign3A_94 : i1 to i32
      %sign3A_96 = arith.subi %sign3A_92, %sign3A_95 : i32
      %ne3A_97 = arith.cmpi ne, %sign3A_89, %sign3A_96 : i32
      %rem3A_98 = arith.remsi %reduce_min3A_59, %jit3A_81 : i32
      %ne3A_99 = arith.constant 0 : i32
      %ne3A_100 = arith.cmpi ne, %rem3A_98, %ne3A_99 : i32
      %and3A_101 = arith.andi %ne3A_97, %ne3A_100 : i1
      %sub3A_102 = arith.constant 1 : i32
      %sub3A_103 = arith.subi %div3A_82, %sub3A_102 : i32
      %select_n3A_104 = arith.select %and3A_101, %sub3A_103, %div3A_82 : i32
      %mul3A_105 = arith.constant 128 : i32
      %mul3A_106 = arith.muli %select_n3A_104, %mul3A_105 : i32
      %sub3A_107 = arith.subi %reduce_min3A_59, %mul3A_106 : i32
      %get3A_108 = arith.index_cast %add3A_80 : i32 to index
      %get3A_109 = arith.constant 0 : index
      %get3A_110 = vector.load %arg8[%get3A_108, %get3A_109] : memref<384x128xf32, #tpu.memory_space<vmem>>, vector<1x128xf32>
      %eq3A_111 = vector.broadcast %sub3A_107 : i32 to vector<1x128xi32>
      %eq3A_112 = arith.cmpi eq, %iota3A_41, %eq3A_111 : vector<1x128xi32>
      %jit3A_113 = arith.constant 0.000000e+00 : f32
      %broadcast_in_dim3A_114 = vector.broadcast %jit3A_113 : f32 to vector<1x128xf32>
      %select_n3A_115 = arith.select %eq3A_112, %get3A_110, %broadcast_in_dim3A_114 : vector<1x128xi1>, vector<1x128xf32>
      %reduce_sum3A = arith.constant dense<0.000000e+00> : vector<1xf32>
      %reduce_sum3A_116 = vector.multi_reduction <add>, %select_n3A_115, %reduce_sum3A [1] : vector<1x128xf32> to vector<1xf32>
      %broadcast_in_dim3A_117 = vector.shape_cast %reduce_sum3A_116 : vector<1xf32> to vector<1x1xf32>
      %get3A_118 = arith.index_cast %add3A_80 : i32 to index
      %get3A_119 = arith.constant 0 : index
      %get3A_120 = vector.load %arg9[%get3A_118, %get3A_119] : memref<384x128xf32, #tpu.memory_space<vmem>>, vector<1x128xf32>
      %eq3A_121 = vector.broadcast %sub3A_107 : i32 to vector<1x128xi32>
      %eq3A_122 = arith.cmpi eq, %iota3A_41, %eq3A_121 : vector<1x128xi32>
      %jit3A_123 = arith.constant 0.000000e+00 : f32
      %broadcast_in_dim3A_124 = vector.broadcast %jit3A_123 : f32 to vector<1x128xf32>
      %select_n3A_125 = arith.select %eq3A_122, %get3A_120, %broadcast_in_dim3A_124 : vector<1x128xi1>, vector<1x128xf32>
      %reduce_sum3A_126 = arith.constant dense<0.000000e+00> : vector<1xf32>
      %reduce_sum3A_127 = vector.multi_reduction <add>, %select_n3A_125, %reduce_sum3A_126 [1] : vector<1x128xf32> to vector<1xf32>
      %broadcast_in_dim3A_128 = vector.shape_cast %reduce_sum3A_127 : vector<1xf32> to vector<1x1xf32>
      %get3A_129 = arith.index_cast %add3A_80 : i32 to index
      %get3A_130 = arith.constant 0 : index
      %get3A_131 = vector.load %arg10[%get3A_129, %get3A_130] : memref<384x128xf32, #tpu.memory_space<vmem>>, vector<1x128xf32>
      %eq3A_132 = vector.broadcast %sub3A_107 : i32 to vector<1x128xi32>
      %eq3A_133 = arith.cmpi eq, %iota3A_41, %eq3A_132 : vector<1x128xi32>
      %jit3A_134 = arith.constant 0.000000e+00 : f32
      %broadcast_in_dim3A_135 = vector.broadcast %jit3A_134 : f32 to vector<1x128xf32>
      %select_n3A_136 = arith.select %eq3A_133, %get3A_131, %broadcast_in_dim3A_135 : vector<1x128xi1>, vector<1x128xf32>
      %reduce_sum3A_137 = arith.constant dense<0.000000e+00> : vector<1xf32>
      %reduce_sum3A_138 = vector.multi_reduction <add>, %select_n3A_136, %reduce_sum3A_137 [1] : vector<1x128xf32> to vector<1xf32>
      %broadcast_in_dim3A_139 = vector.shape_cast %reduce_sum3A_138 : vector<1xf32> to vector<1x1xf32>
      %get3A_140 = arith.index_cast %add3A_80 : i32 to index
      %get3A_141 = arith.constant 0 : index
      %get3A_142 = vector.load %arg11[%get3A_140, %get3A_141] : memref<384x128xf32, #tpu.memory_space<vmem>>, vector<1x128xf32>
      %eq3A_143 = vector.broadcast %sub3A_107 : i32 to vector<1x128xi32>
      %eq3A_144 = arith.cmpi eq, %iota3A_41, %eq3A_143 : vector<1x128xi32>
      %jit3A_145 = arith.constant 0.000000e+00 : f32
      %broadcast_in_dim3A_146 = vector.broadcast %jit3A_145 : f32 to vector<1x128xf32>
      %select_n3A_147 = arith.select %eq3A_144, %get3A_142, %broadcast_in_dim3A_146 : vector<1x128xi1>, vector<1x128xf32>
      %reduce_sum3A_148 = arith.constant dense<0.000000e+00> : vector<1xf32>
      %reduce_sum3A_149 = vector.multi_reduction <add>, %select_n3A_147, %reduce_sum3A_148 [1] : vector<1x128xf32> to vector<1xf32>
      %broadcast_in_dim3A_150 = vector.shape_cast %reduce_sum3A_149 : vector<1xf32> to vector<1x1xf32>
      %sub3A_151 = arith.subf %broadcast_in_dim3A_139, %broadcast_in_dim3A_117 : vector<1x1xf32>
      %max3A_152 = arith.constant 0.000000e+00 : f32
      %max3A_153 = vector.broadcast %max3A_152 : f32 to vector<1x1xf32>
      %max3A_154 = arith.maximumf %sub3A_151, %max3A_153 : vector<1x1xf32>
      %sub3A_155 = arith.subf %broadcast_in_dim3A_150, %broadcast_in_dim3A_128 : vector<1x1xf32>
      %max3A_156 = arith.constant 0.000000e+00 : f32
      %max3A_157 = vector.broadcast %max3A_156 : f32 to vector<1x1xf32>
      %max3A_158 = arith.maximumf %sub3A_155, %max3A_157 : vector<1x1xf32>
      %mul3A_159 = arith.mulf %max3A_154, %max3A_158 : vector<1x1xf32>
      %get3A_160 = arith.constant 0 : index
      %get3A_161 = arith.constant 0 : index
      %get3A_162 = vector.load %arg8[%get3A_160, %get3A_161] : memref<384x128xf32, #tpu.memory_space<vmem>>, vector<48x128xf32>
      %max3A_163 = vector.broadcast %broadcast_in_dim3A_117 : vector<1x1xf32> to vector<48x128xf32>
      %max3A_164 = arith.maximumf %get3A_162, %max3A_163 : vector<48x128xf32>
      %get3A_165 = arith.constant 0 : index
      %get3A_166 = arith.constant 0 : index
      %get3A_167 = vector.load %arg9[%get3A_165, %get3A_166] : memref<384x128xf32, #tpu.memory_space<vmem>>, vector<48x128xf32>
      %max3A_168 = vector.broadcast %broadcast_in_dim3A_128 : vector<1x1xf32> to vector<48x128xf32>
      %max3A_169 = arith.maximumf %get3A_167, %max3A_168 : vector<48x128xf32>
      %get3A_170 = arith.constant 0 : index
      %get3A_171 = arith.constant 0 : index
      %get3A_172 = vector.load %arg10[%get3A_170, %get3A_171] : memref<384x128xf32, #tpu.memory_space<vmem>>, vector<48x128xf32>
      %min3A = vector.broadcast %broadcast_in_dim3A_139 : vector<1x1xf32> to vector<48x128xf32>
      %min3A_173 = arith.minimumf %get3A_172, %min3A : vector<48x128xf32>
      %get3A_174 = arith.constant 0 : index
      %get3A_175 = arith.constant 0 : index
      %get3A_176 = vector.load %arg11[%get3A_174, %get3A_175] : memref<384x128xf32, #tpu.memory_space<vmem>>, vector<48x128xf32>
      %min3A_177 = vector.broadcast %broadcast_in_dim3A_150 : vector<1x1xf32> to vector<48x128xf32>
      %min3A_178 = arith.minimumf %get3A_176, %min3A_177 : vector<48x128xf32>
      %sub3A_179 = arith.subf %min3A_173, %max3A_164 : vector<48x128xf32>
      %max3A_180 = arith.constant 0.000000e+00 : f32
      %max3A_181 = vector.broadcast %max3A_180 : f32 to vector<48x128xf32>
      %max3A_182 = arith.maximumf %sub3A_179, %max3A_181 : vector<48x128xf32>
      %sub3A_183 = arith.subf %min3A_178, %max3A_169 : vector<48x128xf32>
      %max3A_184 = arith.constant 0.000000e+00 : f32
      %max3A_185 = vector.broadcast %max3A_184 : f32 to vector<48x128xf32>
      %max3A_186 = arith.maximumf %sub3A_183, %max3A_185 : vector<48x128xf32>
      %mul3A_187 = arith.mulf %max3A_182, %max3A_186 : vector<48x128xf32>
      %get3A_188 = arith.constant 0 : index
      %get3A_189 = arith.constant 0 : index
      %get3A_190 = vector.load %arg7[%get3A_188, %get3A_189] : memref<384x128xf32, #tpu.memory_space<vmem>>, vector<48x128xf32>
      %add3A_191 = vector.broadcast %mul3A_159 : vector<1x1xf32> to vector<48x128xf32>
      %add3A_192 = arith.addf %add3A_191, %get3A_190 : vector<48x128xf32>
      %sub3A_193 = arith.subf %add3A_192, %mul3A_187 : vector<48x128xf32>
      %max3A_194 = arith.constant 9.99999993E-9 : f32
      %max3A_195 = vector.broadcast %max3A_194 : f32 to vector<48x128xf32>
      %max3A_196 = arith.maximumf %sub3A_193, %max3A_195 : vector<48x128xf32>
      %mul3A_197 = arith.constant 0.699999988 : f32
      %mul3A_198 = vector.broadcast %mul3A_197 : f32 to vector<48x128xf32>
      %mul3A_199 = arith.mulf %mul3A_198, %max3A_196 : vector<48x128xf32>
      %gt3A_200 = arith.cmpf ogt, %mul3A_187, %mul3A_199 : vector<48x128xf32>
      %eq3A_201 = vector.broadcast %reduce_min3A_59 : i32 to vector<48x128xi32>
      %eq3A_202 = arith.cmpi eq, %add3A, %eq3A_201 : vector<48x128xi32>
      %or3A = arith.ori %gt3A_200, %eq3A_202 : vector<48x128xi1>
      %jit3A_203 = arith.constant -1.000000e+00 : f32
      %broadcast_in_dim3A_204 = vector.broadcast %jit3A_203 : f32 to vector<48x128xf32>
      %select_n3A_205 = arith.select %or3A, %broadcast_in_dim3A_204, %get3A_49 : vector<48x128xi1>, vector<48x128xf32>
      %swap3A_206 = arith.constant 0 : index
      %swap3A_207 = arith.constant 0 : index
      %swap3A_208 = vector.load %arg6[%swap3A_206, %swap3A_207] : memref<384x128xf32, #tpu.memory_space<vmem>>, vector<48x128xf32>
      tpu.vector_store %arg6[%swap3A_206, %swap3A_207], %select_n3A_205 {strides = array<i32>} : memref<384x128xf32, #tpu.memory_space<vmem>>, vector<48x128xf32>,
      %concatenate3A = tpu.concatenate %broadcast_in_dim3A_117, %broadcast_in_dim3A_128, %broadcast_in_dim3A_139, %broadcast_in_dim3A_150 in 1 : vector<1x1xf32>, vector<1x1xf32>, vector<1x1xf32>, vector<1x1xf32> -> vector<1x4xf32>
      %jit3A_209 = arith.constant 0.000000e+00 : f32
      %broadcast_in_dim3A_210 = vector.broadcast %jit3A_209 : f32 to vector<1x4xf32>
      %select_n3A_211 = arith.select %gt3A_54, %concatenate3A, %broadcast_in_dim3A_210 : vector<1x4xf32>
      %reshape3A = vector.shape_cast %select_n3A_211 : vector<1x4xf32> to vector<1x1x4xf32>
      %swap3A_212 = arith.constant 0 : index
      %swap3A_213 = arith.index_cast %scan3A_46 : i32 to index
      %swap3A_214 = arith.constant 0 : index
      %swap3A_215 = vector.load %arg5[%swap3A_212, %swap3A_213, %swap3A_214] : memref<8x1000x4xf32, #tpu.memory_space<vmem>>, vector<1x1x4xf32>
      tpu.vector_store %arg5[%swap3A_212, %swap3A_213, %swap3A_214], %reshape3A {strides = array<i32>} : memref<8x1000x4xf32, #tpu.memory_space<vmem>>, vector<1x1x4xf32>,
      %get3A_216 = arith.constant 48 : index
      %get3A_217 = arith.constant 0 : index
      %get3A_218 = vector.load %arg6[%get3A_216, %get3A_217] : memref<384x128xf32, #tpu.memory_space<vmem>>, vector<48x128xf32>
      %reduce_max3A_219 = vector.shape_cast %get3A_218 : vector<48x128xf32> to vector<1x48x128xf32>
      %reduce_max3A_220 = arith.constant dense<0xFF800000> : vector<1xf32>
      %reduce_max3A_221 = vector.multi_reduction <maximumf>, %reduce_max3A_219, %reduce_max3A_220 [1, 2] : vector<1x48x128xf32> to vector<1xf32>
      %reduce_max3A_222 = vector.shape_cast %reduce_max3A_221 : vector<1xf32> to vector<1x1x1xf32>
      %reduce_max3A_223 = vector.extract %reduce_max3A_222[0, 0, 0] : f32 from vector<1x1x1xf32>
      %gt3A_224 = arith.constant 0.000000e+00 : f32
      %gt3A_225 = arith.cmpf ogt, %reduce_max3A_223, %gt3A_224 : f32
      %eq3A_226 = vector.broadcast %reduce_max3A_223 : f32 to vector<48x128xf32>
      %eq3A_227 = arith.cmpf oeq, %get3A_218, %eq3A_226 : vector<48x128xf32>
      %jit3A_228 = arith.constant 6144 : i32
      %broadcast_in_dim3A_229 = vector.broadcast %jit3A_228 : i32 to vector<48x128xi32>
      %select_n3A_230 = arith.select %eq3A_227, %add3A, %broadcast_in_dim3A_229 : vector<48x128xi1>, vector<48x128xi32>
      %reduce_min3A_231 = vector.shape_cast %select_n3A_230 : vector<48x128xi32> to vector<1x48x128xi32>
      %reduce_min3A_232 = arith.constant dense<2147483647> : vector<1xi32>
      %reduce_min3A_233 = vector.multi_reduction <minsi>, %reduce_min3A_231, %reduce_min3A_232 [1, 2] : vector<1x48x128xi32> to vector<1xi32>
      %reduce_min3A_234 = vector.shape_cast %reduce_min3A_233 : vector<1xi32> to vector<1x1x1xi32>
      %reduce_min3A_235 = vector.extract %reduce_min3A_234[0, 0, 0] : i32 from vector<1x1x1xi32>
      %jit3A_236 = arith.constant 128 : i32
      %div3A_237 = arith.divsi %reduce_min3A_235, %jit3A_236 : i32
      %sign3A_238 = arith.constant 0 : i32
      %sign3A_239 = arith.cmpi sgt, %reduce_min3A_235, %sign3A_238 : i32
      %sign3A_240 = arith.extui %sign3A_239 : i1 to i32
      %sign3A_241 = arith.constant 0 : i32
      %sign3A_242 = arith.cmpi slt, %reduce_min3A_235, %sign3A_241 : i32
      %sign3A_243 = arith.extui %sign3A_242 : i1 to i32
      %sign3A_244 = arith.subi %sign3A_240, %sign3A_243 : i32
      %sign3A_245 = arith.constant 0 : i32
      %sign3A_246 = arith.cmpi sgt, %jit3A_236, %sign3A_245 : i32
      %sign3A_247 = arith.extui %sign3A_246 : i1 to i32
      %sign3A_248 = arith.constant 0 : i32
      %sign3A_249 = arith.cmpi slt, %jit3A_236, %sign3A_248 : i32
      %sign3A_250 = arith.extui %sign3A_249 : i1 to i32
      %sign3A_251 = arith.subi %sign3A_247, %sign3A_250 : i32
      %ne3A_252 = arith.cmpi ne, %sign3A_244, %sign3A_251 : i32
      %rem3A_253 = arith.remsi %reduce_min3A_235, %jit3A_236 : i32
      %ne3A_254 = arith.constant 0 : i32
      %ne3A_255 = arith.cmpi ne, %rem3A_253, %ne3A_254 : i32
      %and3A_256 = arith.andi %ne3A_252, %ne3A_255 : i1
      %sub3A_257 = arith.constant 1 : i32
      %sub3A_258 = arith.subi %div3A_237, %sub3A_257 : i32
      %select_n3A_259 = arith.select %and3A_256, %sub3A_258, %div3A_237 : i32
      %add3A_260 = arith.constant 48 : i32
      %add3A_261 = arith.addi %add3A_260, %select_n3A_259 : i32
      %jit3A_262 = arith.constant 128 : i32
      %div3A_263 = arith.divsi %reduce_min3A_235, %jit3A_262 : i32
      %sign3A_264 = arith.constant 0 : i32
      %sign3A_265 = arith.cmpi sgt, %reduce_min3A_235, %sign3A_264 : i32
      %sign3A_266 = arith.extui %sign3A_265 : i1 to i32
      %sign3A_267 = arith.constant 0 : i32
      %sign3A_268 = arith.cmpi slt, %reduce_min3A_235, %sign3A_267 : i32
      %sign3A_269 = arith.extui %sign3A_268 : i1 to i32
      %sign3A_270 = arith.subi %sign3A_266, %sign3A_269 : i32
      %sign3A_271 = arith.constant 0 : i32
      %sign3A_272 = arith.cmpi sgt, %jit3A_262, %sign3A_271 : i32
      %sign3A_273 = arith.extui %sign3A_272 : i1 to i32
      %sign3A_274 = arith.constant 0 : i32
      %sign3A_275 = arith.cmpi slt, %jit3A_262, %sign3A_274 : i32
      %sign3A_276 = arith.extui %sign3A_275 : i1 to i32
      %sign3A_277 = arith.subi %sign3A_273, %sign3A_276 : i32
      %ne3A_278 = arith.cmpi ne, %sign3A_270, %sign3A_277 : i32
      %rem3A_279 = arith.remsi %reduce_min3A_235, %jit3A_262 : i32
      %ne3A_280 = arith.constant 0 : i32
      %ne3A_281 = arith.cmpi ne, %rem3A_279, %ne3A_280 : i32
      %and3A_282 = arith.andi %ne3A_278, %ne3A_281 : i1
      %sub3A_283 = arith.constant 1 : i32
      %sub3A_284 = arith.subi %div3A_263, %sub3A_283 : i32
      %select_n3A_285 = arith.select %and3A_282, %sub3A_284, %div3A_263 : i32
      %mul3A_286 = arith.constant 128 : i32
      %mul3A_287 = arith.muli %select_n3A_285, %mul3A_286 : i32
      %sub3A_288 = arith.subi %reduce_min3A_235, %mul3A_287 : i32
      %get3A_289 = arith.index_cast %add3A_261 : i32 to index
      %get3A_290 = arith.constant 0 : index
      %get3A_291 = vector.load %arg8[%get3A_289, %get3A_290] : memref<384x128xf32, #tpu.memory_space<vmem>>, vector<1x128xf32>
      %eq3A_292 = vector.broadcast %sub3A_288 : i32 to vector<1x128xi32>
      %eq3A_293 = arith.cmpi eq, %iota3A_41, %eq3A_292 : vector<1x128xi32>
      %jit3A_294 = arith.constant 0.000000e+00 : f32
      %broadcast_in_dim3A_295 = vector.broadcast %jit3A_294 : f32 to vector<1x128xf32>
      %select_n3A_296 = arith.select %eq3A_293, %get3A_291, %broadcast_in_dim3A_295 : vector<1x128xi1>, vector<1x128xf32>
      %reduce_sum3A_297 = arith.constant dense<0.000000e+00> : vector<1xf32>
      %reduce_sum3A_298 = vector.multi_reduction <add>, %select_n3A_296, %reduce_sum3A_297 [1] : vector<1x128xf32> to vector<1xf32>
      %broadcast_in_dim3A_299 = vector.shape_cast %reduce_sum3A_298 : vector<1xf32> to vector<1x1xf32>
      %get3A_300 = arith.index_cast %add3A_261 : i32 to index
      %get3A_301 = arith.constant 0 : index
      %get3A_302 = vector.load %arg9[%get3A_300, %get3A_301] : memref<384x128xf32, #tpu.memory_space<vmem>>, vector<1x128xf32>
      %eq3A_303 = vector.broadcast %sub3A_288 : i32 to vector<1x128xi32>
      %eq3A_304 = arith.cmpi eq, %iota3A_41, %eq3A_303 : vector<1x128xi32>
      %jit3A_305 = arith.constant 0.000000e+00 : f32
      %broadcast_in_dim3A_306 = vector.broadcast %jit3A_305 : f32 to vector<1x128xf32>
      %select_n3A_307 = arith.select %eq3A_304, %get3A_302, %broadcast_in_dim3A_306 : vector<1x128xi1>, vector<1x128xf32>
      %reduce_sum3A_308 = arith.constant dense<0.000000e+00> : vector<1xf32>
      %reduce_sum3A_309 = vector.multi_reduction <add>, %select_n3A_307, %reduce_sum3A_308 [1] : vector<1x128xf32> to vector<1xf32>
      %broadcast_in_dim3A_310 = vector.shape_cast %reduce_sum3A_309 : vector<1xf32> to vector<1x1xf32>
      %get3A_311 = arith.index_cast %add3A_261 : i32 to index
      %get3A_312 = arith.constant 0 : index
      %get3A_313 = vector.load %arg10[%get3A_311, %get3A_312] : memref<384x128xf32, #tpu.memory_space<vmem>>, vector<1x128xf32>
      %eq3A_314 = vector.broadcast %sub3A_288 : i32 to vector<1x128xi32>
      %eq3A_315 = arith.cmpi eq, %iota3A_41, %eq3A_314 : vector<1x128xi32>
      %jit3A_316 = arith.constant 0.000000e+00 : f32
      %broadcast_in_dim3A_317 = vector.broadcast %jit3A_316 : f32 to vector<1x128xf32>
      %select_n3A_318 = arith.select %eq3A_315, %get3A_313, %broadcast_in_dim3A_317 : vector<1x128xi1>, vector<1x128xf32>
      %reduce_sum3A_319 = arith.constant dense<0.000000e+00> : vector<1xf32>
      %reduce_sum3A_320 = vector.multi_reduction <add>, %select_n3A_318, %reduce_sum3A_319 [1] : vector<1x128xf32> to vector<1xf32>
      %broadcast_in_dim3A_321 = vector.shape_cast %reduce_sum3A_320 : vector<1xf32> to vector<1x1xf32>
      %get3A_322 = arith.index_cast %add3A_261 : i32 to index
      %get3A_323 = arith.constant 0 : index
      %get3A_324 = vector.load %arg11[%get3A_322, %get3A_323] : memref<384x128xf32, #tpu.memory_space<vmem>>, vector<1x128xf32>
      %eq3A_325 = vector.broadcast %sub3A_288 : i32 to vector<1x128xi32>
      %eq3A_326 = arith.cmpi eq, %iota3A_41, %eq3A_325 : vector<1x128xi32>
      %jit3A_327 = arith.constant 0.000000e+00 : f32
      %broadcast_in_dim3A_328 = vector.broadcast %jit3A_327 : f32 to vector<1x128xf32>
      %select_n3A_329 = arith.select %eq3A_326, %get3A_324, %broadcast_in_dim3A_328 : vector<1x128xi1>, vector<1x128xf32>
      %reduce_sum3A_330 = arith.constant dense<0.000000e+00> : vector<1xf32>
      %reduce_sum3A_331 = vector.multi_reduction <add>, %select_n3A_329, %reduce_sum3A_330 [1] : vector<1x128xf32> to vector<1xf32>
      %broadcast_in_dim3A_332 = vector.shape_cast %reduce_sum3A_331 : vector<1xf32> to vector<1x1xf32>
      %sub3A_333 = arith.subf %broadcast_in_dim3A_321, %broadcast_in_dim3A_299 : vector<1x1xf32>
      %max3A_334 = arith.constant 0.000000e+00 : f32
      %max3A_335 = vector.broadcast %max3A_334 : f32 to vector<1x1xf32>
      %max3A_336 = arith.maximumf %sub3A_333, %max3A_335 : vector<1x1xf32>
      %sub3A_337 = arith.subf %broadcast_in_dim3A_332, %broadcast_in_dim3A_310 : vector<1x1xf32>
      %max3A_338 = arith.constant 0.000000e+00 : f32
      %max3A_339 = vector.broadcast %max3A_338 : f32 to vector<1x1xf32>
      %max3A_340 = arith.maximumf %sub3A_337, %max3A_339 : vector<1x1xf32>
      %mul3A_341 = arith.mulf %max3A_336, %max3A_340 : vector<1x1xf32>
      %get3A_342 = arith.constant 48 : index
      %get3A_343 = arith.constant 0 : index
      %get3A_344 = vector.load %arg8[%get3A_342, %get3A_343] : memref<384x128xf32, #tpu.memory_space<vmem>>, vector<48x128xf32>
      %max3A_345 = vector.broadcast %broadcast_in_dim3A_299 : vector<1x1xf32> to vector<48x128xf32>
      %max3A_346 = arith.maximumf %get3A_344, %max3A_345 : vector<48x128xf32>
      %get3A_347 = arith.constant 48 : index
      %get3A_348 = arith.constant 0 : index
      %get3A_349 = vector.load %arg9[%get3A_347, %get3A_348] : memref<384x128xf32, #tpu.memory_space<vmem>>, vector<48x128xf32>
      %max3A_350 = vector.broadcast %broadcast_in_dim3A_310 : vector<1x1xf32> to vector<48x128xf32>
      %max3A_351 = arith.maximumf %get3A_349, %max3A_350 : vector<48x128xf32>
      %get3A_352 = arith.constant 48 : index
      %get3A_353 = arith.constant 0 : index
      %get3A_354 = vector.load %arg10[%get3A_352, %get3A_353] : memref<384x128xf32, #tpu.memory_space<vmem>>, vector<48x128xf32>
      %min3A_355 = vector.broadcast %broadcast_in_dim3A_321 : vector<1x1xf32> to vector<48x128xf32>
      %min3A_356 = arith.minimumf %get3A_354, %min3A_355 : vector<48x128xf32>
      %get3A_357 = arith.constant 48 : index
      %get3A_358 = arith.constant 0 : index
      %get3A_359 = vector.load %arg11[%get3A_357, %get3A_358] : memref<384x128xf32, #tpu.memory_space<vmem>>, vector<48x128xf32>
      %min3A_360 = vector.broadcast %broadcast_in_dim3A_332 : vector<1x1xf32> to vector<48x128xf32>
      %min3A_361 = arith.minimumf %get3A_359, %min3A_360 : vector<48x128xf32>
      %sub3A_362 = arith.subf %min3A_356, %max3A_346 : vector<48x128xf32>
      %max3A_363 = arith.constant 0.000000e+00 : f32
      %max3A_364 = vector.broadcast %max3A_363 : f32 to vector<48x128xf32>
      %max3A_365 = arith.maximumf %sub3A_362, %max3A_364 : vector<48x128xf32>
      %sub3A_366 = arith.subf %min3A_361, %max3A_351 : vector<48x128xf32>
      %max3A_367 = arith.constant 0.000000e+00 : f32
      %max3A_368 = vector.broadcast %max3A_367 : f32 to vector<48x128xf32>
      %max3A_369 = arith.maximumf %sub3A_366, %max3A_368 : vector<48x128xf32>
      %mul3A_370 = arith.mulf %max3A_365, %max3A_369 : vector<48x128xf32>
      %get3A_371 = arith.constant 48 : index
      %get3A_372 = arith.constant 0 : index
      %get3A_373 = vector.load %arg7[%get3A_371, %get3A_372] : memref<384x128xf32, #tpu.memory_space<vmem>>, vector<48x128xf32>
      %add3A_374 = vector.broadcast %mul3A_341 : vector<1x1xf32> to vector<48x128xf32>
      %add3A_375 = arith.addf %add3A_374, %get3A_373 : vector<48x128xf32>
      %sub3A_376 = arith.subf %add3A_375, %mul3A_370 : vector<48x128xf32>
      %max3A_377 = arith.constant 9.99999993E-9 : f32
      %max3A_378 = vector.broadcast %max3A_377 : f32 to vector<48x128xf32>
      %max3A_379 = arith.maximumf %sub3A_376, %max3A_378 : vector<48x128xf32>
      %mul3A_380 = arith.constant 0.699999988 : f32
      %mul3A_381 = vector.broadcast %mul3A_380 : f32 to vector<48x128xf32>
      %mul3A_382 = arith.mulf %mul3A_381, %max3A_379 : vector<48x128xf32>
      %gt3A_383 = arith.cmpf ogt, %mul3A_370, %mul3A_382 : vector<48x128xf32>
      %eq3A_384 = vector.broadcast %reduce_min3A_235 : i32 to vector<48x128xi32>
      %eq3A_385 = arith.cmpi eq, %add3A, %eq3A_384 : vector<48x128xi32>
      %or3A_386 = arith.ori %gt3A_383, %eq3A_385 : vector<48x128xi1>
      %jit3A_387 = arith.constant -1.000000e+00 : f32
      %broadcast_in_dim3A_388 = vector.broadcast %jit3A_387 : f32 to vector<48x128xf32>
      %select_n3A_389 = arith.select %or3A_386, %broadcast_in_dim3A_388, %get3A_218 : vector<48x128xi1>, vector<48x128xf32>
      %swap3A_390 = arith.constant 48 : index
      %swap3A_391 = arith.constant 0 : index
      %swap3A_392 = vector.load %arg6[%swap3A_390, %swap3A_391] : memref<384x128xf32, #tpu.memory_space<vmem>>, vector<48x128xf32>
      tpu.vector_store %arg6[%swap3A_390, %swap3A_391], %select_n3A_389 {strides = array<i32>} : memref<384x128xf32, #tpu.memory_space<vmem>>, vector<48x128xf32>,
      %concatenate3A_393 = tpu.concatenate %broadcast_in_dim3A_299, %broadcast_in_dim3A_310, %broadcast_in_dim3A_321, %broadcast_in_dim3A_332 in 1 : vector<1x1xf32>, vector<1x1xf32>, vector<1x1xf32>, vector<1x1xf32> -> vector<1x4xf32>
      %jit3A_394 = arith.constant 0.000000e+00 : f32
      %broadcast_in_dim3A_395 = vector.broadcast %jit3A_394 : f32 to vector<1x4xf32>
      %select_n3A_396 = arith.select %gt3A_225, %concatenate3A_393, %broadcast_in_dim3A_395 : vector<1x4xf32>
      %reshape3A_397 = vector.shape_cast %select_n3A_396 : vector<1x4xf32> to vector<1x1x4xf32>
      %swap3A_398 = arith.constant 1 : index
      %swap3A_399 = arith.index_cast %scan3A_46 : i32 to index
      %swap3A_400 = arith.constant 0 : index
      %swap3A_401 = vector.load %arg5[%swap3A_398, %swap3A_399, %swap3A_400] : memref<8x1000x4xf32, #tpu.memory_space<vmem>>, vector<1x1x4xf32>
      tpu.vector_store %arg5[%swap3A_398, %swap3A_399, %swap3A_400], %reshape3A_397 {strides = array<i32>} : memref<8x1000x4xf32, #tpu.memory_space<vmem>>, vector<1x1x4xf32>,
      %get3A_402 = arith.constant 96 : index
      %get3A_403 = arith.constant 0 : index
      %get3A_404 = vector.load %arg6[%get3A_402, %get3A_403] : memref<384x128xf32, #tpu.memory_space<vmem>>, vector<48x128xf32>
      %reduce_max3A_405 = vector.shape_cast %get3A_404 : vector<48x128xf32> to vector<1x48x128xf32>
      %reduce_max3A_406 = arith.constant dense<0xFF800000> : vector<1xf32>
      %reduce_max3A_407 = vector.multi_reduction <maximumf>, %reduce_max3A_405, %reduce_max3A_406 [1, 2] : vector<1x48x128xf32> to vector<1xf32>
      %reduce_max3A_408 = vector.shape_cast %reduce_max3A_407 : vector<1xf32> to vector<1x1x1xf32>
      %reduce_max3A_409 = vector.extract %reduce_max3A_408[0, 0, 0] : f32 from vector<1x1x1xf32>
      %gt3A_410 = arith.constant 0.000000e+00 : f32
      %gt3A_411 = arith.cmpf ogt, %reduce_max3A_409, %gt3A_410 : f32
      %eq3A_412 = vector.broadcast %reduce_max3A_409 : f32 to vector<48x128xf32>
      %eq3A_413 = arith.cmpf oeq, %get3A_404, %eq3A_412 : vector<48x128xf32>
      %jit3A_414 = arith.constant 6144 : i32
      %broadcast_in_dim3A_415 = vector.broadcast %jit3A_414 : i32 to vector<48x128xi32>
      %select_n3A_416 = arith.select %eq3A_413, %add3A, %broadcast_in_dim3A_415 : vector<48x128xi1>, vector<48x128xi32>
      %reduce_min3A_417 = vector.shape_cast %select_n3A_416 : vector<48x128xi32> to vector<1x48x128xi32>
      %reduce_min3A_418 = arith.constant dense<2147483647> : vector<1xi32>
      %reduce_min3A_419 = vector.multi_reduction <minsi>, %reduce_min3A_417, %reduce_min3A_418 [1, 2] : vector<1x48x128xi32> to vector<1xi32>
      %reduce_min3A_420 = vector.shape_cast %reduce_min3A_419 : vector<1xi32> to vector<1x1x1xi32>
      %reduce_min3A_421 = vector.extract %reduce_min3A_420[0, 0, 0] : i32 from vector<1x1x1xi32>
      %jit3A_422 = arith.constant 128 : i32
      %div3A_423 = arith.divsi %reduce_min3A_421, %jit3A_422 : i32
      %sign3A_424 = arith.constant 0 : i32
      %sign3A_425 = arith.cmpi sgt, %reduce_min3A_421, %sign3A_424 : i32
      %sign3A_426 = arith.extui %sign3A_425 : i1 to i32
      %sign3A_427 = arith.constant 0 : i32
      %sign3A_428 = arith.cmpi slt, %reduce_min3A_421, %sign3A_427 : i32
      %sign3A_429 = arith.extui %sign3A_428 : i1 to i32
      %sign3A_430 = arith.subi %sign3A_426, %sign3A_429 : i32
      %sign3A_431 = arith.constant 0 : i32
      %sign3A_432 = arith.cmpi sgt, %jit3A_422, %sign3A_431 : i32
      %sign3A_433 = arith.extui %sign3A_432 : i1 to i32
      %sign3A_434 = arith.constant 0 : i32
      %sign3A_435 = arith.cmpi slt, %jit3A_422, %sign3A_434 : i32
      %sign3A_436 = arith.extui %sign3A_435 : i1 to i32
      %sign3A_437 = arith.subi %sign3A_433, %sign3A_436 : i32
      %ne3A_438 = arith.cmpi ne, %sign3A_430, %sign3A_437 : i32
      %rem3A_439 = arith.remsi %reduce_min3A_421, %jit3A_422 : i32
      %ne3A_440 = arith.constant 0 : i32
      %ne3A_441 = arith.cmpi ne, %rem3A_439, %ne3A_440 : i32
      %and3A_442 = arith.andi %ne3A_438, %ne3A_441 : i1
      %sub3A_443 = arith.constant 1 : i32
      %sub3A_444 = arith.subi %div3A_423, %sub3A_443 : i32
      %select_n3A_445 = arith.select %and3A_442, %sub3A_444, %div3A_423 : i32
      %add3A_446 = arith.constant 96 : i32
      %add3A_447 = arith.addi %add3A_446, %select_n3A_445 : i32
      %jit3A_448 = arith.constant 128 : i32
      %div3A_449 = arith.divsi %reduce_min3A_421, %jit3A_448 : i32
      %sign3A_450 = arith.constant 0 : i32
      %sign3A_451 = arith.cmpi sgt, %reduce_min3A_421, %sign3A_450 : i32
      %sign3A_452 = arith.extui %sign3A_451 : i1 to i32
      %sign3A_453 = arith.constant 0 : i32
      %sign3A_454 = arith.cmpi slt, %reduce_min3A_421, %sign3A_453 : i32
      %sign3A_455 = arith.extui %sign3A_454 : i1 to i32
      %sign3A_456 = arith.subi %sign3A_452, %sign3A_455 : i32
      %sign3A_457 = arith.constant 0 : i32
      %sign3A_458 = arith.cmpi sgt, %jit3A_448, %sign3A_457 : i32
      %sign3A_459 = arith.extui %sign3A_458 : i1 to i32
      %sign3A_460 = arith.constant 0 : i32
      %sign3A_461 = arith.cmpi slt, %jit3A_448, %sign3A_460 : i32
      %sign3A_462 = arith.extui %sign3A_461 : i1 to i32
      %sign3A_463 = arith.subi %sign3A_459, %sign3A_462 : i32
      %ne3A_464 = arith.cmpi ne, %sign3A_456, %sign3A_463 : i32
      %rem3A_465 = arith.remsi %reduce_min3A_421, %jit3A_448 : i32
      %ne3A_466 = arith.constant 0 : i32
      %ne3A_467 = arith.cmpi ne, %rem3A_465, %ne3A_466 : i32
      %and3A_468 = arith.andi %ne3A_464, %ne3A_467 : i1
      %sub3A_469 = arith.constant 1 : i32
      %sub3A_470 = arith.subi %div3A_449, %sub3A_469 : i32
      %select_n3A_471 = arith.select %and3A_468, %sub3A_470, %div3A_449 : i32
      %mul3A_472 = arith.constant 128 : i32
      %mul3A_473 = arith.muli %select_n3A_471, %mul3A_472 : i32
      %sub3A_474 = arith.subi %reduce_min3A_421, %mul3A_473 : i32
      %get3A_475 = arith.index_cast %add3A_447 : i32 to index
      %get3A_476 = arith.constant 0 : index
      %get3A_477 = vector.load %arg8[%get3A_475, %get3A_476] : memref<384x128xf32, #tpu.memory_space<vmem>>, vector<1x128xf32>
      %eq3A_478 = vector.broadcast %sub3A_474 : i32 to vector<1x128xi32>
      %eq3A_479 = arith.cmpi eq, %iota3A_41, %eq3A_478 : vector<1x128xi32>
      %jit3A_480 = arith.constant 0.000000e+00 : f32
      %broadcast_in_dim3A_481 = vector.broadcast %jit3A_480 : f32 to vector<1x128xf32>
      %select_n3A_482 = arith.select %eq3A_479, %get3A_477, %broadcast_in_dim3A_481 : vector<1x128xi1>, vector<1x128xf32>
      %reduce_sum3A_483 = arith.constant dense<0.000000e+00> : vector<1xf32>
      %reduce_sum3A_484 = vector.multi_reduction <add>, %select_n3A_482, %reduce_sum3A_483 [1] : vector<1x128xf32> to vector<1xf32>
      %broadcast_in_dim3A_485 = vector.shape_cast %reduce_sum3A_484 : vector<1xf32> to vector<1x1xf32>
      %get3A_486 = arith.index_cast %add3A_447 : i32 to index
      %get3A_487 = arith.constant 0 : index
      %get3A_488 = vector.load %arg9[%get3A_486, %get3A_487] : memref<384x128xf32, #tpu.memory_space<vmem>>, vector<1x128xf32>
      %eq3A_489 = vector.broadcast %sub3A_474 : i32 to vector<1x128xi32>
      %eq3A_490 = arith.cmpi eq, %iota3A_41, %eq3A_489 : vector<1x128xi32>
      %jit3A_491 = arith.constant 0.000000e+00 : f32
      %broadcast_in_dim3A_492 = vector.broadcast %jit3A_491 : f32 to vector<1x128xf32>
      %select_n3A_493 = arith.select %eq3A_490, %get3A_488, %broadcast_in_dim3A_492 : vector<1x128xi1>, vector<1x128xf32>
      %reduce_sum3A_494 = arith.constant dense<0.000000e+00> : vector<1xf32>
      %reduce_sum3A_495 = vector.multi_reduction <add>, %select_n3A_493, %reduce_sum3A_494 [1] : vector<1x128xf32> to vector<1xf32>
      %broadcast_in_dim3A_496 = vector.shape_cast %reduce_sum3A_495 : vector<1xf32> to vector<1x1xf32>
      %get3A_497 = arith.index_cast %add3A_447 : i32 to index
      %get3A_498 = arith.constant 0 : index
      %get3A_499 = vector.load %arg10[%get3A_497, %get3A_498] : memref<384x128xf32, #tpu.memory_space<vmem>>, vector<1x128xf32>
      %eq3A_500 = vector.broadcast %sub3A_474 : i32 to vector<1x128xi32>
      %eq3A_501 = arith.cmpi eq, %iota3A_41, %eq3A_500 : vector<1x128xi32>
      %jit3A_502 = arith.constant 0.000000e+00 : f32
      %broadcast_in_dim3A_503 = vector.broadcast %jit3A_502 : f32 to vector<1x128xf32>
      %select_n3A_504 = arith.select %eq3A_501, %get3A_499, %broadcast_in_dim3A_503 : vector<1x128xi1>, vector<1x128xf32>
      %reduce_sum3A_505 = arith.constant dense<0.000000e+00> : vector<1xf32>
      %reduce_sum3A_506 = vector.multi_reduction <add>, %select_n3A_504, %reduce_sum3A_505 [1] : vector<1x128xf32> to vector<1xf32>
      %broadcast_in_dim3A_507 = vector.shape_cast %reduce_sum3A_506 : vector<1xf32> to vector<1x1xf32>
      %get3A_508 = arith.index_cast %add3A_447 : i32 to index
      %get3A_509 = arith.constant 0 : index
      %get3A_510 = vector.load %arg11[%get3A_508, %get3A_509] : memref<384x128xf32, #tpu.memory_space<vmem>>, vector<1x128xf32>
      %eq3A_511 = vector.broadcast %sub3A_474 : i32 to vector<1x128xi32>
      %eq3A_512 = arith.cmpi eq, %iota3A_41, %eq3A_511 : vector<1x128xi32>
      %jit3A_513 = arith.constant 0.000000e+00 : f32
      %broadcast_in_dim3A_514 = vector.broadcast %jit3A_513 : f32 to vector<1x128xf32>
      %select_n3A_515 = arith.select %eq3A_512, %get3A_510, %broadcast_in_dim3A_514 : vector<1x128xi1>, vector<1x128xf32>
      %reduce_sum3A_516 = arith.constant dense<0.000000e+00> : vector<1xf32>
      %reduce_sum3A_517 = vector.multi_reduction <add>, %select_n3A_515, %reduce_sum3A_516 [1] : vector<1x128xf32> to vector<1xf32>
      %broadcast_in_dim3A_518 = vector.shape_cast %reduce_sum3A_517 : vector<1xf32> to vector<1x1xf32>
      %sub3A_519 = arith.subf %broadcast_in_dim3A_507, %broadcast_in_dim3A_485 : vector<1x1xf32>
      %max3A_520 = arith.constant 0.000000e+00 : f32
      %max3A_521 = vector.broadcast %max3A_520 : f32 to vector<1x1xf32>
      %max3A_522 = arith.maximumf %sub3A_519, %max3A_521 : vector<1x1xf32>
      %sub3A_523 = arith.subf %broadcast_in_dim3A_518, %broadcast_in_dim3A_496 : vector<1x1xf32>
      %max3A_524 = arith.constant 0.000000e+00 : f32
      %max3A_525 = vector.broadcast %max3A_524 : f32 to vector<1x1xf32>
      %max3A_526 = arith.maximumf %sub3A_523, %max3A_525 : vector<1x1xf32>
      %mul3A_527 = arith.mulf %max3A_522, %max3A_526 : vector<1x1xf32>
      %get3A_528 = arith.constant 96 : index
      %get3A_529 = arith.constant 0 : index
      %get3A_530 = vector.load %arg8[%get3A_528, %get3A_529] : memref<384x128xf32, #tpu.memory_space<vmem>>, vector<48x128xf32>
      %max3A_531 = vector.broadcast %broadcast_in_dim3A_485 : vector<1x1xf32> to vector<48x128xf32>
      %max3A_532 = arith.maximumf %get3A_530, %max3A_531 : vector<48x128xf32>
      %get3A_533 = arith.constant 96 : index
      %get3A_534 = arith.constant 0 : index
      %get3A_535 = vector.load %arg9[%get3A_533, %get3A_534] : memref<384x128xf32, #tpu.memory_space<vmem>>, vector<48x128xf32>
      %max3A_536 = vector.broadcast %broadcast_in_dim3A_496 : vector<1x1xf32> to vector<48x128xf32>
      %max3A_537 = arith.maximumf %get3A_535, %max3A_536 : vector<48x128xf32>
      %get3A_538 = arith.constant 96 : index
      %get3A_539 = arith.constant 0 : index
      %get3A_540 = vector.load %arg10[%get3A_538, %get3A_539] : memref<384x128xf32, #tpu.memory_space<vmem>>, vector<48x128xf32>
      %min3A_541 = vector.broadcast %broadcast_in_dim3A_507 : vector<1x1xf32> to vector<48x128xf32>
      %min3A_542 = arith.minimumf %get3A_540, %min3A_541 : vector<48x128xf32>
      %get3A_543 = arith.constant 96 : index
      %get3A_544 = arith.constant 0 : index
      %get3A_545 = vector.load %arg11[%get3A_543, %get3A_544] : memref<384x128xf32, #tpu.memory_space<vmem>>, vector<48x128xf32>
      %min3A_546 = vector.broadcast %broadcast_in_dim3A_518 : vector<1x1xf32> to vector<48x128xf32>
      %min3A_547 = arith.minimumf %get3A_545, %min3A_546 : vector<48x128xf32>
      %sub3A_548 = arith.subf %min3A_542, %max3A_532 : vector<48x128xf32>
      %max3A_549 = arith.constant 0.000000e+00 : f32
      %max3A_550 = vector.broadcast %max3A_549 : f32 to vector<48x128xf32>
      %max3A_551 = arith.maximumf %sub3A_548, %max3A_550 : vector<48x128xf32>
      %sub3A_552 = arith.subf %min3A_547, %max3A_537 : vector<48x128xf32>
      %max3A_553 = arith.constant 0.000000e+00 : f32
      %max3A_554 = vector.broadcast %max3A_553 : f32 to vector<48x128xf32>
      %max3A_555 = arith.maximumf %sub3A_552, %max3A_554 : vector<48x128xf32>
      %mul3A_556 = arith.mulf %max3A_551, %max3A_555 : vector<48x128xf32>
      %get3A_557 = arith.constant 96 : index
      %get3A_558 = arith.constant 0 : index
      %get3A_559 = vector.load %arg7[%get3A_557, %get3A_558] : memref<384x128xf32, #tpu.memory_space<vmem>>, vector<48x128xf32>
      %add3A_560 = vector.broadcast %mul3A_527 : vector<1x1xf32> to vector<48x128xf32>
      %add3A_561 = arith.addf %add3A_560, %get3A_559 : vector<48x128xf32>
      %sub3A_562 = arith.subf %add3A_561, %mul3A_556 : vector<48x128xf32>
      %max3A_563 = arith.constant 9.99999993E-9 : f32
      %max3A_564 = vector.broadcast %max3A_563 : f32 to vector<48x128xf32>
      %max3A_565 = arith.maximumf %sub3A_562, %max3A_564 : vector<48x128xf32>
      %mul3A_566 = arith.constant 0.699999988 : f32
      %mul3A_567 = vector.broadcast %mul3A_566 : f32 to vector<48x128xf32>
      %mul3A_568 = arith.mulf %mul3A_567, %max3A_565 : vector<48x128xf32>
      %gt3A_569 = arith.cmpf ogt, %mul3A_556, %mul3A_568 : vector<48x128xf32>
      %eq3A_570 = vector.broadcast %reduce_min3A_421 : i32 to vector<48x128xi32>
      %eq3A_571 = arith.cmpi eq, %add3A, %eq3A_570 : vector<48x128xi32>
      %or3A_572 = arith.ori %gt3A_569, %eq3A_571 : vector<48x128xi1>
      %jit3A_573 = arith.constant -1.000000e+00 : f32
      %broadcast_in_dim3A_574 = vector.broadcast %jit3A_573 : f32 to vector<48x128xf32>
      %select_n3A_575 = arith.select %or3A_572, %broadcast_in_dim3A_574, %get3A_404 : vector<48x128xi1>, vector<48x128xf32>
      %swap3A_576 = arith.constant 96 : index
      %swap3A_577 = arith.constant 0 : index
      %swap3A_578 = vector.load %arg6[%swap3A_576, %swap3A_577] : memref<384x128xf32, #tpu.memory_space<vmem>>, vector<48x128xf32>
      tpu.vector_store %arg6[%swap3A_576, %swap3A_577], %select_n3A_575 {strides = array<i32>} : memref<384x128xf32, #tpu.memory_space<vmem>>, vector<48x128xf32>,
      %concatenate3A_579 = tpu.concatenate %broadcast_in_dim3A_485, %broadcast_in_dim3A_496, %broadcast_in_dim3A_507, %broadcast_in_dim3A_518 in 1 : vector<1x1xf32>, vector<1x1xf32>, vector<1x1xf32>, vector<1x1xf32> -> vector<1x4xf32>
      %jit3A_580 = arith.constant 0.000000e+00 : f32
      %broadcast_in_dim3A_581 = vector.broadcast %jit3A_580 : f32 to vector<1x4xf32>
      %select_n3A_582 = arith.select %gt3A_411, %concatenate3A_579, %broadcast_in_dim3A_581 : vector<1x4xf32>
      %reshape3A_583 = vector.shape_cast %select_n3A_582 : vector<1x4xf32> to vector<1x1x4xf32>
      %swap3A_584 = arith.constant 2 : index
      %swap3A_585 = arith.index_cast %scan3A_46 : i32 to index
      %swap3A_586 = arith.constant 0 : index
      %swap3A_587 = vector.load %arg5[%swap3A_584, %swap3A_585, %swap3A_586] : memref<8x1000x4xf32, #tpu.memory_space<vmem>>, vector<1x1x4xf32>
      tpu.vector_store %arg5[%swap3A_584, %swap3A_585, %swap3A_586], %reshape3A_583 {strides = array<i32>} : memref<8x1000x4xf32, #tpu.memory_space<vmem>>, vector<1x1x4xf32>,
      %get3A_588 = arith.constant 144 : index
      %get3A_589 = arith.constant 0 : index
      %get3A_590 = vector.load %arg6[%get3A_588, %get3A_589] : memref<384x128xf32, #tpu.memory_space<vmem>>, vector<48x128xf32>
      %reduce_max3A_591 = vector.shape_cast %get3A_590 : vector<48x128xf32> to vector<1x48x128xf32>
      %reduce_max3A_592 = arith.constant dense<0xFF800000> : vector<1xf32>
      %reduce_max3A_593 = vector.multi_reduction <maximumf>, %reduce_max3A_591, %reduce_max3A_592 [1, 2] : vector<1x48x128xf32> to vector<1xf32>
      %reduce_max3A_594 = vector.shape_cast %reduce_max3A_593 : vector<1xf32> to vector<1x1x1xf32>
      %reduce_max3A_595 = vector.extract %reduce_max3A_594[0, 0, 0] : f32 from vector<1x1x1xf32>
      %gt3A_596 = arith.constant 0.000000e+00 : f32
      %gt3A_597 = arith.cmpf ogt, %reduce_max3A_595, %gt3A_596 : f32
      %eq3A_598 = vector.broadcast %reduce_max3A_595 : f32 to vector<48x128xf32>
      %eq3A_599 = arith.cmpf oeq, %get3A_590, %eq3A_598 : vector<48x128xf32>
      %jit3A_600 = arith.constant 6144 : i32
      %broadcast_in_dim3A_601 = vector.broadcast %jit3A_600 : i32 to vector<48x128xi32>
      %select_n3A_602 = arith.select %eq3A_599, %add3A, %broadcast_in_dim3A_601 : vector<48x128xi1>, vector<48x128xi32>
      %reduce_min3A_603 = vector.shape_cast %select_n3A_602 : vector<48x128xi32> to vector<1x48x128xi32>
      %reduce_min3A_604 = arith.constant dense<2147483647> : vector<1xi32>
      %reduce_min3A_605 = vector.multi_reduction <minsi>, %reduce_min3A_603, %reduce_min3A_604 [1, 2] : vector<1x48x128xi32> to vector<1xi32>
      %reduce_min3A_606 = vector.shape_cast %reduce_min3A_605 : vector<1xi32> to vector<1x1x1xi32>
      %reduce_min3A_607 = vector.extract %reduce_min3A_606[0, 0, 0] : i32 from vector<1x1x1xi32>
      %jit3A_608 = arith.constant 128 : i32
      %div3A_609 = arith.divsi %reduce_min3A_607, %jit3A_608 : i32
      %sign3A_610 = arith.constant 0 : i32
      %sign3A_611 = arith.cmpi sgt, %reduce_min3A_607, %sign3A_610 : i32
      %sign3A_612 = arith.extui %sign3A_611 : i1 to i32
      %sign3A_613 = arith.constant 0 : i32
      %sign3A_614 = arith.cmpi slt, %reduce_min3A_607, %sign3A_613 : i32
      %sign3A_615 = arith.extui %sign3A_614 : i1 to i32
      %sign3A_616 = arith.subi %sign3A_612, %sign3A_615 : i32
      %sign3A_617 = arith.constant 0 : i32
      %sign3A_618 = arith.cmpi sgt, %jit3A_608, %sign3A_617 : i32
      %sign3A_619 = arith.extui %sign3A_618 : i1 to i32
      %sign3A_620 = arith.constant 0 : i32
      %sign3A_621 = arith.cmpi slt, %jit3A_608, %sign3A_620 : i32
      %sign3A_622 = arith.extui %sign3A_621 : i1 to i32
      %sign3A_623 = arith.subi %sign3A_619, %sign3A_622 : i32
      %ne3A_624 = arith.cmpi ne, %sign3A_616, %sign3A_623 : i32
      %rem3A_625 = arith.remsi %reduce_min3A_607, %jit3A_608 : i32
      %ne3A_626 = arith.constant 0 : i32
      %ne3A_627 = arith.cmpi ne, %rem3A_625, %ne3A_626 : i32
      %and3A_628 = arith.andi %ne3A_624, %ne3A_627 : i1
      %sub3A_629 = arith.constant 1 : i32
      %sub3A_630 = arith.subi %div3A_609, %sub3A_629 : i32
      %select_n3A_631 = arith.select %and3A_628, %sub3A_630, %div3A_609 : i32
      %add3A_632 = arith.constant 144 : i32
      %add3A_633 = arith.addi %add3A_632, %select_n3A_631 : i32
      %jit3A_634 = arith.constant 128 : i32
      %div3A_635 = arith.divsi %reduce_min3A_607, %jit3A_634 : i32
      %sign3A_636 = arith.constant 0 : i32
      %sign3A_637 = arith.cmpi sgt, %reduce_min3A_607, %sign3A_636 : i32
      %sign3A_638 = arith.extui %sign3A_637 : i1 to i32
      %sign3A_639 = arith.constant 0 : i32
      %sign3A_640 = arith.cmpi slt, %reduce_min3A_607, %sign3A_639 : i32
      %sign3A_641 = arith.extui %sign3A_640 : i1 to i32
      %sign3A_642 = arith.subi %sign3A_638, %sign3A_641 : i32
      %sign3A_643 = arith.constant 0 : i32
      %sign3A_644 = arith.cmpi sgt, %jit3A_634, %sign3A_643 : i32
      %sign3A_645 = arith.extui %sign3A_644 : i1 to i32
      %sign3A_646 = arith.constant 0 : i32
      %sign3A_647 = arith.cmpi slt, %jit3A_634, %sign3A_646 : i32
      %sign3A_648 = arith.extui %sign3A_647 : i1 to i32
      %sign3A_649 = arith.subi %sign3A_645, %sign3A_648 : i32
      %ne3A_650 = arith.cmpi ne, %sign3A_642, %sign3A_649 : i32
      %rem3A_651 = arith.remsi %reduce_min3A_607, %jit3A_634 : i32
      %ne3A_652 = arith.constant 0 : i32
      %ne3A_653 = arith.cmpi ne, %rem3A_651, %ne3A_652 : i32
      %and3A_654 = arith.andi %ne3A_650, %ne3A_653 : i1
      %sub3A_655 = arith.constant 1 : i32
      %sub3A_656 = arith.subi %div3A_635, %sub3A_655 : i32
      %select_n3A_657 = arith.select %and3A_654, %sub3A_656, %div3A_635 : i32
      %mul3A_658 = arith.constant 128 : i32
      %mul3A_659 = arith.muli %select_n3A_657, %mul3A_658 : i32
      %sub3A_660 = arith.subi %reduce_min3A_607, %mul3A_659 : i32
      %get3A_661 = arith.index_cast %add3A_633 : i32 to index
      %get3A_662 = arith.constant 0 : index
      %get3A_663 = vector.load %arg8[%get3A_661, %get3A_662] : memref<384x128xf32, #tpu.memory_space<vmem>>, vector<1x128xf32>
      %eq3A_664 = vector.broadcast %sub3A_660 : i32 to vector<1x128xi32>
      %eq3A_665 = arith.cmpi eq, %iota3A_41, %eq3A_664 : vector<1x128xi32>
      %jit3A_666 = arith.constant 0.000000e+00 : f32
      %broadcast_in_dim3A_667 = vector.broadcast %jit3A_666 : f32 to vector<1x128xf32>
      %select_n3A_668 = arith.select %eq3A_665, %get3A_663, %broadcast_in_dim3A_667 : vector<1x128xi1>, vector<1x128xf32>
      %reduce_sum3A_669 = arith.constant dense<0.000000e+00> : vector<1xf32>
      %reduce_sum3A_670 = vector.multi_reduction <add>, %select_n3A_668, %reduce_sum3A_669 [1] : vector<1x128xf32> to vector<1xf32>
      %broadcast_in_dim3A_671 = vector.shape_cast %reduce_sum3A_670 : vector<1xf32> to vector<1x1xf32>
      %get3A_672 = arith.index_cast %add3A_633 : i32 to index
      %get3A_673 = arith.constant 0 : index
      %get3A_674 = vector.load %arg9[%get3A_672, %get3A_673] : memref<384x128xf32, #tpu.memory_space<vmem>>, vector<1x128xf32>
      %eq3A_675 = vector.broadcast %sub3A_660 : i32 to vector<1x128xi32>
      %eq3A_676 = arith.cmpi eq, %iota3A_41, %eq3A_675 : vector<1x128xi32>
      %jit3A_677 = arith.constant 0.000000e+00 : f32
      %broadcast_in_dim3A_678 = vector.broadcast %jit3A_677 : f32 to vector<1x128xf32>
      %select_n3A_679 = arith.select %eq3A_676, %get3A_674, %broadcast_in_dim3A_678 : vector<1x128xi1>, vector<1x128xf32>
      %reduce_sum3A_680 = arith.constant dense<0.000000e+00> : vector<1xf32>
      %reduce_sum3A_681 = vector.multi_reduction <add>, %select_n3A_679, %reduce_sum3A_680 [1] : vector<1x128xf32> to vector<1xf32>
      %broadcast_in_dim3A_682 = vector.shape_cast %reduce_sum3A_681 : vector<1xf32> to vector<1x1xf32>
      %get3A_683 = arith.index_cast %add3A_633 : i32 to index
      %get3A_684 = arith.constant 0 : index
      %get3A_685 = vector.load %arg10[%get3A_683, %get3A_684] : memref<384x128xf32, #tpu.memory_space<vmem>>, vector<1x128xf32>
      %eq3A_686 = vector.broadcast %sub3A_660 : i32 to vector<1x128xi32>
      %eq3A_687 = arith.cmpi eq, %iota3A_41, %eq3A_686 : vector<1x128xi32>
      %jit3A_688 = arith.constant 0.000000e+00 : f32
      %broadcast_in_dim3A_689 = vector.broadcast %jit3A_688 : f32 to vector<1x128xf32>
      %select_n3A_690 = arith.select %eq3A_687, %get3A_685, %broadcast_in_dim3A_689 : vector<1x128xi1>, vector<1x128xf32>
      %reduce_sum3A_691 = arith.constant dense<0.000000e+00> : vector<1xf32>
      %reduce_sum3A_692 = vector.multi_reduction <add>, %select_n3A_690, %reduce_sum3A_691 [1] : vector<1x128xf32> to vector<1xf32>
      %broadcast_in_dim3A_693 = vector.shape_cast %reduce_sum3A_692 : vector<1xf32> to vector<1x1xf32>
      %get3A_694 = arith.index_cast %add3A_633 : i32 to index
      %get3A_695 = arith.constant 0 : index
      %get3A_696 = vector.load %arg11[%get3A_694, %get3A_695] : memref<384x128xf32, #tpu.memory_space<vmem>>, vector<1x128xf32>
      %eq3A_697 = vector.broadcast %sub3A_660 : i32 to vector<1x128xi32>
      %eq3A_698 = arith.cmpi eq, %iota3A_41, %eq3A_697 : vector<1x128xi32>
      %jit3A_699 = arith.constant 0.000000e+00 : f32
      %broadcast_in_dim3A_700 = vector.broadcast %jit3A_699 : f32 to vector<1x128xf32>
      %select_n3A_701 = arith.select %eq3A_698, %get3A_696, %broadcast_in_dim3A_700 : vector<1x128xi1>, vector<1x128xf32>
      %reduce_sum3A_702 = arith.constant dense<0.000000e+00> : vector<1xf32>
      %reduce_sum3A_703 = vector.multi_reduction <add>, %select_n3A_701, %reduce_sum3A_702 [1] : vector<1x128xf32> to vector<1xf32>
      %broadcast_in_dim3A_704 = vector.shape_cast %reduce_sum3A_703 : vector<1xf32> to vector<1x1xf32>
      %sub3A_705 = arith.subf %broadcast_in_dim3A_693, %broadcast_in_dim3A_671 : vector<1x1xf32>
      %max3A_706 = arith.constant 0.000000e+00 : f32
      %max3A_707 = vector.broadcast %max3A_706 : f32 to vector<1x1xf32>
      %max3A_708 = arith.maximumf %sub3A_705, %max3A_707 : vector<1x1xf32>
      %sub3A_709 = arith.subf %broadcast_in_dim3A_704, %broadcast_in_dim3A_682 : vector<1x1xf32>
      %max3A_710 = arith.constant 0.000000e+00 : f32
      %max3A_711 = vector.broadcast %max3A_710 : f32 to vector<1x1xf32>
      %max3A_712 = arith.maximumf %sub3A_709, %max3A_711 : vector<1x1xf32>
      %mul3A_713 = arith.mulf %max3A_708, %max3A_712 : vector<1x1xf32>
      %get3A_714 = arith.constant 144 : index
      %get3A_715 = arith.constant 0 : index
      %get3A_716 = vector.load %arg8[%get3A_714, %get3A_715] : memref<384x128xf32, #tpu.memory_space<vmem>>, vector<48x128xf32>
      %max3A_717 = vector.broadcast %broadcast_in_dim3A_671 : vector<1x1xf32> to vector<48x128xf32>
      %max3A_718 = arith.maximumf %get3A_716, %max3A_717 : vector<48x128xf32>
      %get3A_719 = arith.constant 144 : index
      %get3A_720 = arith.constant 0 : index
      %get3A_721 = vector.load %arg9[%get3A_719, %get3A_720] : memref<384x128xf32, #tpu.memory_space<vmem>>, vector<48x128xf32>
      %max3A_722 = vector.broadcast %broadcast_in_dim3A_682 : vector<1x1xf32> to vector<48x128xf32>
      %max3A_723 = arith.maximumf %get3A_721, %max3A_722 : vector<48x128xf32>
      %get3A_724 = arith.constant 144 : index
      %get3A_725 = arith.constant 0 : index
      %get3A_726 = vector.load %arg10[%get3A_724, %get3A_725] : memref<384x128xf32, #tpu.memory_space<vmem>>, vector<48x128xf32>
      %min3A_727 = vector.broadcast %broadcast_in_dim3A_693 : vector<1x1xf32> to vector<48x128xf32>
      %min3A_728 = arith.minimumf %get3A_726, %min3A_727 : vector<48x128xf32>
      %get3A_729 = arith.constant 144 : index
      %get3A_730 = arith.constant 0 : index
      %get3A_731 = vector.load %arg11[%get3A_729, %get3A_730] : memref<384x128xf32, #tpu.memory_space<vmem>>, vector<48x128xf32>
      %min3A_732 = vector.broadcast %broadcast_in_dim3A_704 : vector<1x1xf32> to vector<48x128xf32>
      %min3A_733 = arith.minimumf %get3A_731, %min3A_732 : vector<48x128xf32>
      %sub3A_734 = arith.subf %min3A_728, %max3A_718 : vector<48x128xf32>
      %max3A_735 = arith.constant 0.000000e+00 : f32
      %max3A_736 = vector.broadcast %max3A_735 : f32 to vector<48x128xf32>
      %max3A_737 = arith.maximumf %sub3A_734, %max3A_736 : vector<48x128xf32>
      %sub3A_738 = arith.subf %min3A_733, %max3A_723 : vector<48x128xf32>
      %max3A_739 = arith.constant 0.000000e+00 : f32
      %max3A_740 = vector.broadcast %max3A_739 : f32 to vector<48x128xf32>
      %max3A_741 = arith.maximumf %sub3A_738, %max3A_740 : vector<48x128xf32>
      %mul3A_742 = arith.mulf %max3A_737, %max3A_741 : vector<48x128xf32>
      %get3A_743 = arith.constant 144 : index
      %get3A_744 = arith.constant 0 : index
      %get3A_745 = vector.load %arg7[%get3A_743, %get3A_744] : memref<384x128xf32, #tpu.memory_space<vmem>>, vector<48x128xf32>
      %add3A_746 = vector.broadcast %mul3A_713 : vector<1x1xf32> to vector<48x128xf32>
      %add3A_747 = arith.addf %add3A_746, %get3A_745 : vector<48x128xf32>
      %sub3A_748 = arith.subf %add3A_747, %mul3A_742 : vector<48x128xf32>
      %max3A_749 = arith.constant 9.99999993E-9 : f32
      %max3A_750 = vector.broadcast %max3A_749 : f32 to vector<48x128xf32>
      %max3A_751 = arith.maximumf %sub3A_748, %max3A_750 : vector<48x128xf32>
      %mul3A_752 = arith.constant 0.699999988 : f32
      %mul3A_753 = vector.broadcast %mul3A_752 : f32 to vector<48x128xf32>
      %mul3A_754 = arith.mulf %mul3A_753, %max3A_751 : vector<48x128xf32>
      %gt3A_755 = arith.cmpf ogt, %mul3A_742, %mul3A_754 : vector<48x128xf32>
      %eq3A_756 = vector.broadcast %reduce_min3A_607 : i32 to vector<48x128xi32>
      %eq3A_757 = arith.cmpi eq, %add3A, %eq3A_756 : vector<48x128xi32>
      %or3A_758 = arith.ori %gt3A_755, %eq3A_757 : vector<48x128xi1>
      %jit3A_759 = arith.constant -1.000000e+00 : f32
      %broadcast_in_dim3A_760 = vector.broadcast %jit3A_759 : f32 to vector<48x128xf32>
      %select_n3A_761 = arith.select %or3A_758, %broadcast_in_dim3A_760, %get3A_590 : vector<48x128xi1>, vector<48x128xf32>
      %swap3A_762 = arith.constant 144 : index
      %swap3A_763 = arith.constant 0 : index
      %swap3A_764 = vector.load %arg6[%swap3A_762, %swap3A_763] : memref<384x128xf32, #tpu.memory_space<vmem>>, vector<48x128xf32>
      tpu.vector_store %arg6[%swap3A_762, %swap3A_763], %select_n3A_761 {strides = array<i32>} : memref<384x128xf32, #tpu.memory_space<vmem>>, vector<48x128xf32>,
      %concatenate3A_765 = tpu.concatenate %broadcast_in_dim3A_671, %broadcast_in_dim3A_682, %broadcast_in_dim3A_693, %broadcast_in_dim3A_704 in 1 : vector<1x1xf32>, vector<1x1xf32>, vector<1x1xf32>, vector<1x1xf32> -> vector<1x4xf32>
      %jit3A_766 = arith.constant 0.000000e+00 : f32
      %broadcast_in_dim3A_767 = vector.broadcast %jit3A_766 : f32 to vector<1x4xf32>
      %select_n3A_768 = arith.select %gt3A_597, %concatenate3A_765, %broadcast_in_dim3A_767 : vector<1x4xf32>
      %reshape3A_769 = vector.shape_cast %select_n3A_768 : vector<1x4xf32> to vector<1x1x4xf32>
      %swap3A_770 = arith.constant 3 : index
      %swap3A_771 = arith.index_cast %scan3A_46 : i32 to index
      %swap3A_772 = arith.constant 0 : index
      %swap3A_773 = vector.load %arg5[%swap3A_770, %swap3A_771, %swap3A_772] : memref<8x1000x4xf32, #tpu.memory_space<vmem>>, vector<1x1x4xf32>
      tpu.vector_store %arg5[%swap3A_770, %swap3A_771, %swap3A_772], %reshape3A_769 {strides = array<i32>} : memref<8x1000x4xf32, #tpu.memory_space<vmem>>, vector<1x1x4xf32>,
      %get3A_774 = arith.constant 192 : index
      %get3A_775 = arith.constant 0 : index
      %get3A_776 = vector.load %arg6[%get3A_774, %get3A_775] : memref<384x128xf32, #tpu.memory_space<vmem>>, vector<48x128xf32>
      %reduce_max3A_777 = vector.shape_cast %get3A_776 : vector<48x128xf32> to vector<1x48x128xf32>
      %reduce_max3A_778 = arith.constant dense<0xFF800000> : vector<1xf32>
      %reduce_max3A_779 = vector.multi_reduction <maximumf>, %reduce_max3A_777, %reduce_max3A_778 [1, 2] : vector<1x48x128xf32> to vector<1xf32>
      %reduce_max3A_780 = vector.shape_cast %reduce_max3A_779 : vector<1xf32> to vector<1x1x1xf32>
      %reduce_max3A_781 = vector.extract %reduce_max3A_780[0, 0, 0] : f32 from vector<1x1x1xf32>
      %gt3A_782 = arith.constant 0.000000e+00 : f32
      %gt3A_783 = arith.cmpf ogt, %reduce_max3A_781, %gt3A_782 : f32
      %eq3A_784 = vector.broadcast %reduce_max3A_781 : f32 to vector<48x128xf32>
      %eq3A_785 = arith.cmpf oeq, %get3A_776, %eq3A_784 : vector<48x128xf32>
      %jit3A_786 = arith.constant 6144 : i32
      %broadcast_in_dim3A_787 = vector.broadcast %jit3A_786 : i32 to vector<48x128xi32>
      %select_n3A_788 = arith.select %eq3A_785, %add3A, %broadcast_in_dim3A_787 : vector<48x128xi1>, vector<48x128xi32>
      %reduce_min3A_789 = vector.shape_cast %select_n3A_788 : vector<48x128xi32> to vector<1x48x128xi32>
      %reduce_min3A_790 = arith.constant dense<2147483647> : vector<1xi32>
      %reduce_min3A_791 = vector.multi_reduction <minsi>, %reduce_min3A_789, %reduce_min3A_790 [1, 2] : vector<1x48x128xi32> to vector<1xi32>
      %reduce_min3A_792 = vector.shape_cast %reduce_min3A_791 : vector<1xi32> to vector<1x1x1xi32>
      %reduce_min3A_793 = vector.extract %reduce_min3A_792[0, 0, 0] : i32 from vector<1x1x1xi32>
      %jit3A_794 = arith.constant 128 : i32
      %div3A_795 = arith.divsi %reduce_min3A_793, %jit3A_794 : i32
      %sign3A_796 = arith.constant 0 : i32
      %sign3A_797 = arith.cmpi sgt, %reduce_min3A_793, %sign3A_796 : i32
      %sign3A_798 = arith.extui %sign3A_797 : i1 to i32
      %sign3A_799 = arith.constant 0 : i32
      %sign3A_800 = arith.cmpi slt, %reduce_min3A_793, %sign3A_799 : i32
      %sign3A_801 = arith.extui %sign3A_800 : i1 to i32
      %sign3A_802 = arith.subi %sign3A_798, %sign3A_801 : i32
      %sign3A_803 = arith.constant 0 : i32
      %sign3A_804 = arith.cmpi sgt, %jit3A_794, %sign3A_803 : i32
      %sign3A_805 = arith.extui %sign3A_804 : i1 to i32
      %sign3A_806 = arith.constant 0 : i32
      %sign3A_807 = arith.cmpi slt, %jit3A_794, %sign3A_806 : i32
      %sign3A_808 = arith.extui %sign3A_807 : i1 to i32
      %sign3A_809 = arith.subi %sign3A_805, %sign3A_808 : i32
      %ne3A_810 = arith.cmpi ne, %sign3A_802, %sign3A_809 : i32
      %rem3A_811 = arith.remsi %reduce_min3A_793, %jit3A_794 : i32
      %ne3A_812 = arith.constant 0 : i32
      %ne3A_813 = arith.cmpi ne, %rem3A_811, %ne3A_812 : i32
      %and3A_814 = arith.andi %ne3A_810, %ne3A_813 : i1
      %sub3A_815 = arith.constant 1 : i32
      %sub3A_816 = arith.subi %div3A_795, %sub3A_815 : i32
      %select_n3A_817 = arith.select %and3A_814, %sub3A_816, %div3A_795 : i32
      %add3A_818 = arith.constant 192 : i32
      %add3A_819 = arith.addi %add3A_818, %select_n3A_817 : i32
      %jit3A_820 = arith.constant 128 : i32
      %div3A_821 = arith.divsi %reduce_min3A_793, %jit3A_820 : i32
      %sign3A_822 = arith.constant 0 : i32
      %sign3A_823 = arith.cmpi sgt, %reduce_min3A_793, %sign3A_822 : i32
      %sign3A_824 = arith.extui %sign3A_823 : i1 to i32
      %sign3A_825 = arith.constant 0 : i32
      %sign3A_826 = arith.cmpi slt, %reduce_min3A_793, %sign3A_825 : i32
      %sign3A_827 = arith.extui %sign3A_826 : i1 to i32
      %sign3A_828 = arith.subi %sign3A_824, %sign3A_827 : i32
      %sign3A_829 = arith.constant 0 : i32
      %sign3A_830 = arith.cmpi sgt, %jit3A_820, %sign3A_829 : i32
      %sign3A_831 = arith.extui %sign3A_830 : i1 to i32
      %sign3A_832 = arith.constant 0 : i32
      %sign3A_833 = arith.cmpi slt, %jit3A_820, %sign3A_832 : i32
      %sign3A_834 = arith.extui %sign3A_833 : i1 to i32
      %sign3A_835 = arith.subi %sign3A_831, %sign3A_834 : i32
      %ne3A_836 = arith.cmpi ne, %sign3A_828, %sign3A_835 : i32
      %rem3A_837 = arith.remsi %reduce_min3A_793, %jit3A_820 : i32
      %ne3A_838 = arith.constant 0 : i32
      %ne3A_839 = arith.cmpi ne, %rem3A_837, %ne3A_838 : i32
      %and3A_840 = arith.andi %ne3A_836, %ne3A_839 : i1
      %sub3A_841 = arith.constant 1 : i32
      %sub3A_842 = arith.subi %div3A_821, %sub3A_841 : i32
      %select_n3A_843 = arith.select %and3A_840, %sub3A_842, %div3A_821 : i32
      %mul3A_844 = arith.constant 128 : i32
      %mul3A_845 = arith.muli %select_n3A_843, %mul3A_844 : i32
      %sub3A_846 = arith.subi %reduce_min3A_793, %mul3A_845 : i32
      %get3A_847 = arith.index_cast %add3A_819 : i32 to index
      %get3A_848 = arith.constant 0 : index
      %get3A_849 = vector.load %arg8[%get3A_847, %get3A_848] : memref<384x128xf32, #tpu.memory_space<vmem>>, vector<1x128xf32>
      %eq3A_850 = vector.broadcast %sub3A_846 : i32 to vector<1x128xi32>
      %eq3A_851 = arith.cmpi eq, %iota3A_41, %eq3A_850 : vector<1x128xi32>
      %jit3A_852 = arith.constant 0.000000e+00 : f32
      %broadcast_in_dim3A_853 = vector.broadcast %jit3A_852 : f32 to vector<1x128xf32>
      %select_n3A_854 = arith.select %eq3A_851, %get3A_849, %broadcast_in_dim3A_853 : vector<1x128xi1>, vector<1x128xf32>
      %reduce_sum3A_855 = arith.constant dense<0.000000e+00> : vector<1xf32>
      %reduce_sum3A_856 = vector.multi_reduction <add>, %select_n3A_854, %reduce_sum3A_855 [1] : vector<1x128xf32> to vector<1xf32>
      %broadcast_in_dim3A_857 = vector.shape_cast %reduce_sum3A_856 : vector<1xf32> to vector<1x1xf32>
      %get3A_858 = arith.index_cast %add3A_819 : i32 to index
      %get3A_859 = arith.constant 0 : index
      %get3A_860 = vector.load %arg9[%get3A_858, %get3A_859] : memref<384x128xf32, #tpu.memory_space<vmem>>, vector<1x128xf32>
      %eq3A_861 = vector.broadcast %sub3A_846 : i32 to vector<1x128xi32>
      %eq3A_862 = arith.cmpi eq, %iota3A_41, %eq3A_861 : vector<1x128xi32>
      %jit3A_863 = arith.constant 0.000000e+00 : f32
      %broadcast_in_dim3A_864 = vector.broadcast %jit3A_863 : f32 to vector<1x128xf32>
      %select_n3A_865 = arith.select %eq3A_862, %get3A_860, %broadcast_in_dim3A_864 : vector<1x128xi1>, vector<1x128xf32>
      %reduce_sum3A_866 = arith.constant dense<0.000000e+00> : vector<1xf32>
      %reduce_sum3A_867 = vector.multi_reduction <add>, %select_n3A_865, %reduce_sum3A_866 [1] : vector<1x128xf32> to vector<1xf32>
      %broadcast_in_dim3A_868 = vector.shape_cast %reduce_sum3A_867 : vector<1xf32> to vector<1x1xf32>
      %get3A_869 = arith.index_cast %add3A_819 : i32 to index
      %get3A_870 = arith.constant 0 : index
      %get3A_871 = vector.load %arg10[%get3A_869, %get3A_870] : memref<384x128xf32, #tpu.memory_space<vmem>>, vector<1x128xf32>
      %eq3A_872 = vector.broadcast %sub3A_846 : i32 to vector<1x128xi32>
      %eq3A_873 = arith.cmpi eq, %iota3A_41, %eq3A_872 : vector<1x128xi32>
      %jit3A_874 = arith.constant 0.000000e+00 : f32
      %broadcast_in_dim3A_875 = vector.broadcast %jit3A_874 : f32 to vector<1x128xf32>
      %select_n3A_876 = arith.select %eq3A_873, %get3A_871, %broadcast_in_dim3A_875 : vector<1x128xi1>, vector<1x128xf32>
      %reduce_sum3A_877 = arith.constant dense<0.000000e+00> : vector<1xf32>
      %reduce_sum3A_878 = vector.multi_reduction <add>, %select_n3A_876, %reduce_sum3A_877 [1] : vector<1x128xf32> to vector<1xf32>
      %broadcast_in_dim3A_879 = vector.shape_cast %reduce_sum3A_878 : vector<1xf32> to vector<1x1xf32>
      %get3A_880 = arith.index_cast %add3A_819 : i32 to index
      %get3A_881 = arith.constant 0 : index
      %get3A_882 = vector.load %arg11[%get3A_880, %get3A_881] : memref<384x128xf32, #tpu.memory_space<vmem>>, vector<1x128xf32>
      %eq3A_883 = vector.broadcast %sub3A_846 : i32 to vector<1x128xi32>
      %eq3A_884 = arith.cmpi eq, %iota3A_41, %eq3A_883 : vector<1x128xi32>
      %jit3A_885 = arith.constant 0.000000e+00 : f32
      %broadcast_in_dim3A_886 = vector.broadcast %jit3A_885 : f32 to vector<1x128xf32>
      %select_n3A_887 = arith.select %eq3A_884, %get3A_882, %broadcast_in_dim3A_886 : vector<1x128xi1>, vector<1x128xf32>
      %reduce_sum3A_888 = arith.constant dense<0.000000e+00> : vector<1xf32>
      %reduce_sum3A_889 = vector.multi_reduction <add>, %select_n3A_887, %reduce_sum3A_888 [1] : vector<1x128xf32> to vector<1xf32>
      %broadcast_in_dim3A_890 = vector.shape_cast %reduce_sum3A_889 : vector<1xf32> to vector<1x1xf32>
      %sub3A_891 = arith.subf %broadcast_in_dim3A_879, %broadcast_in_dim3A_857 : vector<1x1xf32>
      %max3A_892 = arith.constant 0.000000e+00 : f32
      %max3A_893 = vector.broadcast %max3A_892 : f32 to vector<1x1xf32>
      %max3A_894 = arith.maximumf %sub3A_891, %max3A_893 : vector<1x1xf32>
      %sub3A_895 = arith.subf %broadcast_in_dim3A_890, %broadcast_in_dim3A_868 : vector<1x1xf32>
      %max3A_896 = arith.constant 0.000000e+00 : f32
      %max3A_897 = vector.broadcast %max3A_896 : f32 to vector<1x1xf32>
      %max3A_898 = arith.maximumf %sub3A_895, %max3A_897 : vector<1x1xf32>
      %mul3A_899 = arith.mulf %max3A_894, %max3A_898 : vector<1x1xf32>
      %get3A_900 = arith.constant 192 : index
      %get3A_901 = arith.constant 0 : index
      %get3A_902 = vector.load %arg8[%get3A_900, %get3A_901] : memref<384x128xf32, #tpu.memory_space<vmem>>, vector<48x128xf32>
      %max3A_903 = vector.broadcast %broadcast_in_dim3A_857 : vector<1x1xf32> to vector<48x128xf32>
      %max3A_904 = arith.maximumf %get3A_902, %max3A_903 : vector<48x128xf32>
      %get3A_905 = arith.constant 192 : index
      %get3A_906 = arith.constant 0 : index
      %get3A_907 = vector.load %arg9[%get3A_905, %get3A_906] : memref<384x128xf32, #tpu.memory_space<vmem>>, vector<48x128xf32>
      %max3A_908 = vector.broadcast %broadcast_in_dim3A_868 : vector<1x1xf32> to vector<48x128xf32>
      %max3A_909 = arith.maximumf %get3A_907, %max3A_908 : vector<48x128xf32>
      %get3A_910 = arith.constant 192 : index
      %get3A_911 = arith.constant 0 : index
      %get3A_912 = vector.load %arg10[%get3A_910, %get3A_911] : memref<384x128xf32, #tpu.memory_space<vmem>>, vector<48x128xf32>
      %min3A_913 = vector.broadcast %broadcast_in_dim3A_879 : vector<1x1xf32> to vector<48x128xf32>
      %min3A_914 = arith.minimumf %get3A_912, %min3A_913 : vector<48x128xf32>
      %get3A_915 = arith.constant 192 : index
      %get3A_916 = arith.constant 0 : index
      %get3A_917 = vector.load %arg11[%get3A_915, %get3A_916] : memref<384x128xf32, #tpu.memory_space<vmem>>, vector<48x128xf32>
      %min3A_918 = vector.broadcast %broadcast_in_dim3A_890 : vector<1x1xf32> to vector<48x128xf32>
      %min3A_919 = arith.minimumf %get3A_917, %min3A_918 : vector<48x128xf32>
      %sub3A_920 = arith.subf %min3A_914, %max3A_904 : vector<48x128xf32>
      %max3A_921 = arith.constant 0.000000e+00 : f32
      %max3A_922 = vector.broadcast %max3A_921 : f32 to vector<48x128xf32>
      %max3A_923 = arith.maximumf %sub3A_920, %max3A_922 : vector<48x128xf32>
      %sub3A_924 = arith.subf %min3A_919, %max3A_909 : vector<48x128xf32>
      %max3A_925 = arith.constant 0.000000e+00 : f32
      %max3A_926 = vector.broadcast %max3A_925 : f32 to vector<48x128xf32>
      %max3A_927 = arith.maximumf %sub3A_924, %max3A_926 : vector<48x128xf32>
      %mul3A_928 = arith.mulf %max3A_923, %max3A_927 : vector<48x128xf32>
      %get3A_929 = arith.constant 192 : index
      %get3A_930 = arith.constant 0 : index
      %get3A_931 = vector.load %arg7[%get3A_929, %get3A_930] : memref<384x128xf32, #tpu.memory_space<vmem>>, vector<48x128xf32>
      %add3A_932 = vector.broadcast %mul3A_899 : vector<1x1xf32> to vector<48x128xf32>
      %add3A_933 = arith.addf %add3A_932, %get3A_931 : vector<48x128xf32>
      %sub3A_934 = arith.subf %add3A_933, %mul3A_928 : vector<48x128xf32>
      %max3A_935 = arith.constant 9.99999993E-9 : f32
      %max3A_936 = vector.broadcast %max3A_935 : f32 to vector<48x128xf32>
      %max3A_937 = arith.maximumf %sub3A_934, %max3A_936 : vector<48x128xf32>
      %mul3A_938 = arith.constant 0.699999988 : f32
      %mul3A_939 = vector.broadcast %mul3A_938 : f32 to vector<48x128xf32>
      %mul3A_940 = arith.mulf %mul3A_939, %max3A_937 : vector<48x128xf32>
      %gt3A_941 = arith.cmpf ogt, %mul3A_928, %mul3A_940 : vector<48x128xf32>
      %eq3A_942 = vector.broadcast %reduce_min3A_793 : i32 to vector<48x128xi32>
      %eq3A_943 = arith.cmpi eq, %add3A, %eq3A_942 : vector<48x128xi32>
      %or3A_944 = arith.ori %gt3A_941, %eq3A_943 : vector<48x128xi1>
      %jit3A_945 = arith.constant -1.000000e+00 : f32
      %broadcast_in_dim3A_946 = vector.broadcast %jit3A_945 : f32 to vector<48x128xf32>
      %select_n3A_947 = arith.select %or3A_944, %broadcast_in_dim3A_946, %get3A_776 : vector<48x128xi1>, vector<48x128xf32>
      %swap3A_948 = arith.constant 192 : index
      %swap3A_949 = arith.constant 0 : index
      %swap3A_950 = vector.load %arg6[%swap3A_948, %swap3A_949] : memref<384x128xf32, #tpu.memory_space<vmem>>, vector<48x128xf32>
      tpu.vector_store %arg6[%swap3A_948, %swap3A_949], %select_n3A_947 {strides = array<i32>} : memref<384x128xf32, #tpu.memory_space<vmem>>, vector<48x128xf32>,
      %concatenate3A_951 = tpu.concatenate %broadcast_in_dim3A_857, %broadcast_in_dim3A_868, %broadcast_in_dim3A_879, %broadcast_in_dim3A_890 in 1 : vector<1x1xf32>, vector<1x1xf32>, vector<1x1xf32>, vector<1x1xf32> -> vector<1x4xf32>
      %jit3A_952 = arith.constant 0.000000e+00 : f32
      %broadcast_in_dim3A_953 = vector.broadcast %jit3A_952 : f32 to vector<1x4xf32>
      %select_n3A_954 = arith.select %gt3A_783, %concatenate3A_951, %broadcast_in_dim3A_953 : vector<1x4xf32>
      %reshape3A_955 = vector.shape_cast %select_n3A_954 : vector<1x4xf32> to vector<1x1x4xf32>
      %swap3A_956 = arith.constant 4 : index
      %swap3A_957 = arith.index_cast %scan3A_46 : i32 to index
      %swap3A_958 = arith.constant 0 : index
      %swap3A_959 = vector.load %arg5[%swap3A_956, %swap3A_957, %swap3A_958] : memref<8x1000x4xf32, #tpu.memory_space<vmem>>, vector<1x1x4xf32>
      tpu.vector_store %arg5[%swap3A_956, %swap3A_957, %swap3A_958], %reshape3A_955 {strides = array<i32>} : memref<8x1000x4xf32, #tpu.memory_space<vmem>>, vector<1x1x4xf32>,
      %get3A_960 = arith.constant 240 : index
      %get3A_961 = arith.constant 0 : index
      %get3A_962 = vector.load %arg6[%get3A_960, %get3A_961] : memref<384x128xf32, #tpu.memory_space<vmem>>, vector<48x128xf32>
      %reduce_max3A_963 = vector.shape_cast %get3A_962 : vector<48x128xf32> to vector<1x48x128xf32>
      %reduce_max3A_964 = arith.constant dense<0xFF800000> : vector<1xf32>
      %reduce_max3A_965 = vector.multi_reduction <maximumf>, %reduce_max3A_963, %reduce_max3A_964 [1, 2] : vector<1x48x128xf32> to vector<1xf32>
      %reduce_max3A_966 = vector.shape_cast %reduce_max3A_965 : vector<1xf32> to vector<1x1x1xf32>
      %reduce_max3A_967 = vector.extract %reduce_max3A_966[0, 0, 0] : f32 from vector<1x1x1xf32>
      %gt3A_968 = arith.constant 0.000000e+00 : f32
      %gt3A_969 = arith.cmpf ogt, %reduce_max3A_967, %gt3A_968 : f32
      %eq3A_970 = vector.broadcast %reduce_max3A_967 : f32 to vector<48x128xf32>
      %eq3A_971 = arith.cmpf oeq, %get3A_962, %eq3A_970 : vector<48x128xf32>
      %jit3A_972 = arith.constant 6144 : i32
      %broadcast_in_dim3A_973 = vector.broadcast %jit3A_972 : i32 to vector<48x128xi32>
      %select_n3A_974 = arith.select %eq3A_971, %add3A, %broadcast_in_dim3A_973 : vector<48x128xi1>, vector<48x128xi32>
      %reduce_min3A_975 = vector.shape_cast %select_n3A_974 : vector<48x128xi32> to vector<1x48x128xi32>
      %reduce_min3A_976 = arith.constant dense<2147483647> : vector<1xi32>
      %reduce_min3A_977 = vector.multi_reduction <minsi>, %reduce_min3A_975, %reduce_min3A_976 [1, 2] : vector<1x48x128xi32> to vector<1xi32>
      %reduce_min3A_978 = vector.shape_cast %reduce_min3A_977 : vector<1xi32> to vector<1x1x1xi32>
      %reduce_min3A_979 = vector.extract %reduce_min3A_978[0, 0, 0] : i32 from vector<1x1x1xi32>
      %jit3A_980 = arith.constant 128 : i32
      %div3A_981 = arith.divsi %reduce_min3A_979, %jit3A_980 : i32
      %sign3A_982 = arith.constant 0 : i32
      %sign3A_983 = arith.cmpi sgt, %reduce_min3A_979, %sign3A_982 : i32
      %sign3A_984 = arith.extui %sign3A_983 : i1 to i32
      %sign3A_985 = arith.constant 0 : i32
      %sign3A_986 = arith.cmpi slt, %reduce_min3A_979, %sign3A_985 : i32
      %sign3A_987 = arith.extui %sign3A_986 : i1 to i32
      %sign3A_988 = arith.subi %sign3A_984, %sign3A_987 : i32
      %sign3A_989 = arith.constant 0 : i32
      %sign3A_990 = arith.cmpi sgt, %jit3A_980, %sign3A_989 : i32
      %sign3A_991 = arith.extui %sign3A_990 : i1 to i32
      %sign3A_992 = arith.constant 0 : i32
      %sign3A_993 = arith.cmpi slt, %jit3A_980, %sign3A_992 : i32
      %sign3A_994 = arith.extui %sign3A_993 : i1 to i32
      %sign3A_995 = arith.subi %sign3A_991, %sign3A_994 : i32
      %ne3A_996 = arith.cmpi ne, %sign3A_988, %sign3A_995 : i32
      %rem3A_997 = arith.remsi %reduce_min3A_979, %jit3A_980 : i32
      %ne3A_998 = arith.constant 0 : i32
      %ne3A_999 = arith.cmpi ne, %rem3A_997, %ne3A_998 : i32
      %and3A_1000 = arith.andi %ne3A_996, %ne3A_999 : i1
      %sub3A_1001 = arith.constant 1 : i32
      %sub3A_1002 = arith.subi %div3A_981, %sub3A_1001 : i32
      %select_n3A_1003 = arith.select %and3A_1000, %sub3A_1002, %div3A_981 : i32
      %add3A_1004 = arith.constant 240 : i32
      %add3A_1005 = arith.addi %add3A_1004, %select_n3A_1003 : i32
      %jit3A_1006 = arith.constant 128 : i32
      %div3A_1007 = arith.divsi %reduce_min3A_979, %jit3A_1006 : i32
      %sign3A_1008 = arith.constant 0 : i32
      %sign3A_1009 = arith.cmpi sgt, %reduce_min3A_979, %sign3A_1008 : i32
      %sign3A_1010 = arith.extui %sign3A_1009 : i1 to i32
      %sign3A_1011 = arith.constant 0 : i32
      %sign3A_1012 = arith.cmpi slt, %reduce_min3A_979, %sign3A_1011 : i32
      %sign3A_1013 = arith.extui %sign3A_1012 : i1 to i32
      %sign3A_1014 = arith.subi %sign3A_1010, %sign3A_1013 : i32
      %sign3A_1015 = arith.constant 0 : i32
      %sign3A_1016 = arith.cmpi sgt, %jit3A_1006, %sign3A_1015 : i32
      %sign3A_1017 = arith.extui %sign3A_1016 : i1 to i32
      %sign3A_1018 = arith.constant 0 : i32
      %sign3A_1019 = arith.cmpi slt, %jit3A_1006, %sign3A_1018 : i32
      %sign3A_1020 = arith.extui %sign3A_1019 : i1 to i32
      %sign3A_1021 = arith.subi %sign3A_1017, %sign3A_1020 : i32
      %ne3A_1022 = arith.cmpi ne, %sign3A_1014, %sign3A_1021 : i32
      %rem3A_1023 = arith.remsi %reduce_min3A_979, %jit3A_1006 : i32
      %ne3A_1024 = arith.constant 0 : i32
      %ne3A_1025 = arith.cmpi ne, %rem3A_1023, %ne3A_1024 : i32
      %and3A_1026 = arith.andi %ne3A_1022, %ne3A_1025 : i1
      %sub3A_1027 = arith.constant 1 : i32
      %sub3A_1028 = arith.subi %div3A_1007, %sub3A_1027 : i32
      %select_n3A_1029 = arith.select %and3A_1026, %sub3A_1028, %div3A_1007 : i32
      %mul3A_1030 = arith.constant 128 : i32
      %mul3A_1031 = arith.muli %select_n3A_1029, %mul3A_1030 : i32
      %sub3A_1032 = arith.subi %reduce_min3A_979, %mul3A_1031 : i32
      %get3A_1033 = arith.index_cast %add3A_1005 : i32 to index
      %get3A_1034 = arith.constant 0 : index
      %get3A_1035 = vector.load %arg8[%get3A_1033, %get3A_1034] : memref<384x128xf32, #tpu.memory_space<vmem>>, vector<1x128xf32>
      %eq3A_1036 = vector.broadcast %sub3A_1032 : i32 to vector<1x128xi32>
      %eq3A_1037 = arith.cmpi eq, %iota3A_41, %eq3A_1036 : vector<1x128xi32>
      %jit3A_1038 = arith.constant 0.000000e+00 : f32
      %broadcast_in_dim3A_1039 = vector.broadcast %jit3A_1038 : f32 to vector<1x128xf32>
      %select_n3A_1040 = arith.select %eq3A_1037, %get3A_1035, %broadcast_in_dim3A_1039 : vector<1x128xi1>, vector<1x128xf32>
      %reduce_sum3A_1041 = arith.constant dense<0.000000e+00> : vector<1xf32>
      %reduce_sum3A_1042 = vector.multi_reduction <add>, %select_n3A_1040, %reduce_sum3A_1041 [1] : vector<1x128xf32> to vector<1xf32>
      %broadcast_in_dim3A_1043 = vector.shape_cast %reduce_sum3A_1042 : vector<1xf32> to vector<1x1xf32>
      %get3A_1044 = arith.index_cast %add3A_1005 : i32 to index
      %get3A_1045 = arith.constant 0 : index
      %get3A_1046 = vector.load %arg9[%get3A_1044, %get3A_1045] : memref<384x128xf32, #tpu.memory_space<vmem>>, vector<1x128xf32>
      %eq3A_1047 = vector.broadcast %sub3A_1032 : i32 to vector<1x128xi32>
      %eq3A_1048 = arith.cmpi eq, %iota3A_41, %eq3A_1047 : vector<1x128xi32>
      %jit3A_1049 = arith.constant 0.000000e+00 : f32
      %broadcast_in_dim3A_1050 = vector.broadcast %jit3A_1049 : f32 to vector<1x128xf32>
      %select_n3A_1051 = arith.select %eq3A_1048, %get3A_1046, %broadcast_in_dim3A_1050 : vector<1x128xi1>, vector<1x128xf32>
      %reduce_sum3A_1052 = arith.constant dense<0.000000e+00> : vector<1xf32>
      %reduce_sum3A_1053 = vector.multi_reduction <add>, %select_n3A_1051, %reduce_sum3A_1052 [1] : vector<1x128xf32> to vector<1xf32>
      %broadcast_in_dim3A_1054 = vector.shape_cast %reduce_sum3A_1053 : vector<1xf32> to vector<1x1xf32>
      %get3A_1055 = arith.index_cast %add3A_1005 : i32 to index
      %get3A_1056 = arith.constant 0 : index
      %get3A_1057 = vector.load %arg10[%get3A_1055, %get3A_1056] : memref<384x128xf32, #tpu.memory_space<vmem>>, vector<1x128xf32>
      %eq3A_1058 = vector.broadcast %sub3A_1032 : i32 to vector<1x128xi32>
      %eq3A_1059 = arith.cmpi eq, %iota3A_41, %eq3A_1058 : vector<1x128xi32>
      %jit3A_1060 = arith.constant 0.000000e+00 : f32
      %broadcast_in_dim3A_1061 = vector.broadcast %jit3A_1060 : f32 to vector<1x128xf32>
      %select_n3A_1062 = arith.select %eq3A_1059, %get3A_1057, %broadcast_in_dim3A_1061 : vector<1x128xi1>, vector<1x128xf32>
      %reduce_sum3A_1063 = arith.constant dense<0.000000e+00> : vector<1xf32>
      %reduce_sum3A_1064 = vector.multi_reduction <add>, %select_n3A_1062, %reduce_sum3A_1063 [1] : vector<1x128xf32> to vector<1xf32>
      %broadcast_in_dim3A_1065 = vector.shape_cast %reduce_sum3A_1064 : vector<1xf32> to vector<1x1xf32>
      %get3A_1066 = arith.index_cast %add3A_1005 : i32 to index
      %get3A_1067 = arith.constant 0 : index
      %get3A_1068 = vector.load %arg11[%get3A_1066, %get3A_1067] : memref<384x128xf32, #tpu.memory_space<vmem>>, vector<1x128xf32>
      %eq3A_1069 = vector.broadcast %sub3A_1032 : i32 to vector<1x128xi32>
      %eq3A_1070 = arith.cmpi eq, %iota3A_41, %eq3A_1069 : vector<1x128xi32>
      %jit3A_1071 = arith.constant 0.000000e+00 : f32
      %broadcast_in_dim3A_1072 = vector.broadcast %jit3A_1071 : f32 to vector<1x128xf32>
      %select_n3A_1073 = arith.select %eq3A_1070, %get3A_1068, %broadcast_in_dim3A_1072 : vector<1x128xi1>, vector<1x128xf32>
      %reduce_sum3A_1074 = arith.constant dense<0.000000e+00> : vector<1xf32>
      %reduce_sum3A_1075 = vector.multi_reduction <add>, %select_n3A_1073, %reduce_sum3A_1074 [1] : vector<1x128xf32> to vector<1xf32>
      %broadcast_in_dim3A_1076 = vector.shape_cast %reduce_sum3A_1075 : vector<1xf32> to vector<1x1xf32>
      %sub3A_1077 = arith.subf %broadcast_in_dim3A_1065, %broadcast_in_dim3A_1043 : vector<1x1xf32>
      %max3A_1078 = arith.constant 0.000000e+00 : f32
      %max3A_1079 = vector.broadcast %max3A_1078 : f32 to vector<1x1xf32>
      %max3A_1080 = arith.maximumf %sub3A_1077, %max3A_1079 : vector<1x1xf32>
      %sub3A_1081 = arith.subf %broadcast_in_dim3A_1076, %broadcast_in_dim3A_1054 : vector<1x1xf32>
      %max3A_1082 = arith.constant 0.000000e+00 : f32
      %max3A_1083 = vector.broadcast %max3A_1082 : f32 to vector<1x1xf32>
      %max3A_1084 = arith.maximumf %sub3A_1081, %max3A_1083 : vector<1x1xf32>
      %mul3A_1085 = arith.mulf %max3A_1080, %max3A_1084 : vector<1x1xf32>
      %get3A_1086 = arith.constant 240 : index
      %get3A_1087 = arith.constant 0 : index
      %get3A_1088 = vector.load %arg8[%get3A_1086, %get3A_1087] : memref<384x128xf32, #tpu.memory_space<vmem>>, vector<48x128xf32>
      %max3A_1089 = vector.broadcast %broadcast_in_dim3A_1043 : vector<1x1xf32> to vector<48x128xf32>
      %max3A_1090 = arith.maximumf %get3A_1088, %max3A_1089 : vector<48x128xf32>
      %get3A_1091 = arith.constant 240 : index
      %get3A_1092 = arith.constant 0 : index
      %get3A_1093 = vector.load %arg9[%get3A_1091, %get3A_1092] : memref<384x128xf32, #tpu.memory_space<vmem>>, vector<48x128xf32>
      %max3A_1094 = vector.broadcast %broadcast_in_dim3A_1054 : vector<1x1xf32> to vector<48x128xf32>
      %max3A_1095 = arith.maximumf %get3A_1093, %max3A_1094 : vector<48x128xf32>
      %get3A_1096 = arith.constant 240 : index
      %get3A_1097 = arith.constant 0 : index
      %get3A_1098 = vector.load %arg10[%get3A_1096, %get3A_1097] : memref<384x128xf32, #tpu.memory_space<vmem>>, vector<48x128xf32>
      %min3A_1099 = vector.broadcast %broadcast_in_dim3A_1065 : vector<1x1xf32> to vector<48x128xf32>
      %min3A_1100 = arith.minimumf %get3A_1098, %min3A_1099 : vector<48x128xf32>
      %get3A_1101 = arith.constant 240 : index
      %get3A_1102 = arith.constant 0 : index
      %get3A_1103 = vector.load %arg11[%get3A_1101, %get3A_1102] : memref<384x128xf32, #tpu.memory_space<vmem>>, vector<48x128xf32>
      %min3A_1104 = vector.broadcast %broadcast_in_dim3A_1076 : vector<1x1xf32> to vector<48x128xf32>
      %min3A_1105 = arith.minimumf %get3A_1103, %min3A_1104 : vector<48x128xf32>
      %sub3A_1106 = arith.subf %min3A_1100, %max3A_1090 : vector<48x128xf32>
      %max3A_1107 = arith.constant 0.000000e+00 : f32
      %max3A_1108 = vector.broadcast %max3A_1107 : f32 to vector<48x128xf32>
      %max3A_1109 = arith.maximumf %sub3A_1106, %max3A_1108 : vector<48x128xf32>
      %sub3A_1110 = arith.subf %min3A_1105, %max3A_1095 : vector<48x128xf32>
      %max3A_1111 = arith.constant 0.000000e+00 : f32
      %max3A_1112 = vector.broadcast %max3A_1111 : f32 to vector<48x128xf32>
      %max3A_1113 = arith.maximumf %sub3A_1110, %max3A_1112 : vector<48x128xf32>
      %mul3A_1114 = arith.mulf %max3A_1109, %max3A_1113 : vector<48x128xf32>
      %get3A_1115 = arith.constant 240 : index
      %get3A_1116 = arith.constant 0 : index
      %get3A_1117 = vector.load %arg7[%get3A_1115, %get3A_1116] : memref<384x128xf32, #tpu.memory_space<vmem>>, vector<48x128xf32>
      %add3A_1118 = vector.broadcast %mul3A_1085 : vector<1x1xf32> to vector<48x128xf32>
      %add3A_1119 = arith.addf %add3A_1118, %get3A_1117 : vector<48x128xf32>
      %sub3A_1120 = arith.subf %add3A_1119, %mul3A_1114 : vector<48x128xf32>
      %max3A_1121 = arith.constant 9.99999993E-9 : f32
      %max3A_1122 = vector.broadcast %max3A_1121 : f32 to vector<48x128xf32>
      %max3A_1123 = arith.maximumf %sub3A_1120, %max3A_1122 : vector<48x128xf32>
      %mul3A_1124 = arith.constant 0.699999988 : f32
      %mul3A_1125 = vector.broadcast %mul3A_1124 : f32 to vector<48x128xf32>
      %mul3A_1126 = arith.mulf %mul3A_1125, %max3A_1123 : vector<48x128xf32>
      %gt3A_1127 = arith.cmpf ogt, %mul3A_1114, %mul3A_1126 : vector<48x128xf32>
      %eq3A_1128 = vector.broadcast %reduce_min3A_979 : i32 to vector<48x128xi32>
      %eq3A_1129 = arith.cmpi eq, %add3A, %eq3A_1128 : vector<48x128xi32>
      %or3A_1130 = arith.ori %gt3A_1127, %eq3A_1129 : vector<48x128xi1>
      %jit3A_1131 = arith.constant -1.000000e+00 : f32
      %broadcast_in_dim3A_1132 = vector.broadcast %jit3A_1131 : f32 to vector<48x128xf32>
      %select_n3A_1133 = arith.select %or3A_1130, %broadcast_in_dim3A_1132, %get3A_962 : vector<48x128xi1>, vector<48x128xf32>
      %swap3A_1134 = arith.constant 240 : index
      %swap3A_1135 = arith.constant 0 : index
      %swap3A_1136 = vector.load %arg6[%swap3A_1134, %swap3A_1135] : memref<384x128xf32, #tpu.memory_space<vmem>>, vector<48x128xf32>
      tpu.vector_store %arg6[%swap3A_1134, %swap3A_1135], %select_n3A_1133 {strides = array<i32>} : memref<384x128xf32, #tpu.memory_space<vmem>>, vector<48x128xf32>,
      %concatenate3A_1137 = tpu.concatenate %broadcast_in_dim3A_1043, %broadcast_in_dim3A_1054, %broadcast_in_dim3A_1065, %broadcast_in_dim3A_1076 in 1 : vector<1x1xf32>, vector<1x1xf32>, vector<1x1xf32>, vector<1x1xf32> -> vector<1x4xf32>
      %jit3A_1138 = arith.constant 0.000000e+00 : f32
      %broadcast_in_dim3A_1139 = vector.broadcast %jit3A_1138 : f32 to vector<1x4xf32>
      %select_n3A_1140 = arith.select %gt3A_969, %concatenate3A_1137, %broadcast_in_dim3A_1139 : vector<1x4xf32>
      %reshape3A_1141 = vector.shape_cast %select_n3A_1140 : vector<1x4xf32> to vector<1x1x4xf32>
      %swap3A_1142 = arith.constant 5 : index
      %swap3A_1143 = arith.index_cast %scan3A_46 : i32 to index
      %swap3A_1144 = arith.constant 0 : index
      %swap3A_1145 = vector.load %arg5[%swap3A_1142, %swap3A_1143, %swap3A_1144] : memref<8x1000x4xf32, #tpu.memory_space<vmem>>, vector<1x1x4xf32>
      tpu.vector_store %arg5[%swap3A_1142, %swap3A_1143, %swap3A_1144], %reshape3A_1141 {strides = array<i32>} : memref<8x1000x4xf32, #tpu.memory_space<vmem>>, vector<1x1x4xf32>,
      %get3A_1146 = arith.constant 288 : index
      %get3A_1147 = arith.constant 0 : index
      %get3A_1148 = vector.load %arg6[%get3A_1146, %get3A_1147] : memref<384x128xf32, #tpu.memory_space<vmem>>, vector<48x128xf32>
      %reduce_max3A_1149 = vector.shape_cast %get3A_1148 : vector<48x128xf32> to vector<1x48x128xf32>
      %reduce_max3A_1150 = arith.constant dense<0xFF800000> : vector<1xf32>
      %reduce_max3A_1151 = vector.multi_reduction <maximumf>, %reduce_max3A_1149, %reduce_max3A_1150 [1, 2] : vector<1x48x128xf32> to vector<1xf32>
      %reduce_max3A_1152 = vector.shape_cast %reduce_max3A_1151 : vector<1xf32> to vector<1x1x1xf32>
      %reduce_max3A_1153 = vector.extract %reduce_max3A_1152[0, 0, 0] : f32 from vector<1x1x1xf32>
      %gt3A_1154 = arith.constant 0.000000e+00 : f32
      %gt3A_1155 = arith.cmpf ogt, %reduce_max3A_1153, %gt3A_1154 : f32
      %eq3A_1156 = vector.broadcast %reduce_max3A_1153 : f32 to vector<48x128xf32>
      %eq3A_1157 = arith.cmpf oeq, %get3A_1148, %eq3A_1156 : vector<48x128xf32>
      %jit3A_1158 = arith.constant 6144 : i32
      %broadcast_in_dim3A_1159 = vector.broadcast %jit3A_1158 : i32 to vector<48x128xi32>
      %select_n3A_1160 = arith.select %eq3A_1157, %add3A, %broadcast_in_dim3A_1159 : vector<48x128xi1>, vector<48x128xi32>
      %reduce_min3A_1161 = vector.shape_cast %select_n3A_1160 : vector<48x128xi32> to vector<1x48x128xi32>
      %reduce_min3A_1162 = arith.constant dense<2147483647> : vector<1xi32>
      %reduce_min3A_1163 = vector.multi_reduction <minsi>, %reduce_min3A_1161, %reduce_min3A_1162 [1, 2] : vector<1x48x128xi32> to vector<1xi32>
      %reduce_min3A_1164 = vector.shape_cast %reduce_min3A_1163 : vector<1xi32> to vector<1x1x1xi32>
      %reduce_min3A_1165 = vector.extract %reduce_min3A_1164[0, 0, 0] : i32 from vector<1x1x1xi32>
      %jit3A_1166 = arith.constant 128 : i32
      %div3A_1167 = arith.divsi %reduce_min3A_1165, %jit3A_1166 : i32
      %sign3A_1168 = arith.constant 0 : i32
      %sign3A_1169 = arith.cmpi sgt, %reduce_min3A_1165, %sign3A_1168 : i32
      %sign3A_1170 = arith.extui %sign3A_1169 : i1 to i32
      %sign3A_1171 = arith.constant 0 : i32
      %sign3A_1172 = arith.cmpi slt, %reduce_min3A_1165, %sign3A_1171 : i32
      %sign3A_1173 = arith.extui %sign3A_1172 : i1 to i32
      %sign3A_1174 = arith.subi %sign3A_1170, %sign3A_1173 : i32
      %sign3A_1175 = arith.constant 0 : i32
      %sign3A_1176 = arith.cmpi sgt, %jit3A_1166, %sign3A_1175 : i32
      %sign3A_1177 = arith.extui %sign3A_1176 : i1 to i32
      %sign3A_1178 = arith.constant 0 : i32
      %sign3A_1179 = arith.cmpi slt, %jit3A_1166, %sign3A_1178 : i32
      %sign3A_1180 = arith.extui %sign3A_1179 : i1 to i32
      %sign3A_1181 = arith.subi %sign3A_1177, %sign3A_1180 : i32
      %ne3A_1182 = arith.cmpi ne, %sign3A_1174, %sign3A_1181 : i32
      %rem3A_1183 = arith.remsi %reduce_min3A_1165, %jit3A_1166 : i32
      %ne3A_1184 = arith.constant 0 : i32
      %ne3A_1185 = arith.cmpi ne, %rem3A_1183, %ne3A_1184 : i32
      %and3A_1186 = arith.andi %ne3A_1182, %ne3A_1185 : i1
      %sub3A_1187 = arith.constant 1 : i32
      %sub3A_1188 = arith.subi %div3A_1167, %sub3A_1187 : i32
      %select_n3A_1189 = arith.select %and3A_1186, %sub3A_1188, %div3A_1167 : i32
      %add3A_1190 = arith.constant 288 : i32
      %add3A_1191 = arith.addi %add3A_1190, %select_n3A_1189 : i32
      %jit3A_1192 = arith.constant 128 : i32
      %div3A_1193 = arith.divsi %reduce_min3A_1165, %jit3A_1192 : i32
      %sign3A_1194 = arith.constant 0 : i32
      %sign3A_1195 = arith.cmpi sgt, %reduce_min3A_1165, %sign3A_1194 : i32
      %sign3A_1196 = arith.extui %sign3A_1195 : i1 to i32
      %sign3A_1197 = arith.constant 0 : i32
      %sign3A_1198 = arith.cmpi slt, %reduce_min3A_1165, %sign3A_1197 : i32
      %sign3A_1199 = arith.extui %sign3A_1198 : i1 to i32
      %sign3A_1200 = arith.subi %sign3A_1196, %sign3A_1199 : i32
      %sign3A_1201 = arith.constant 0 : i32
      %sign3A_1202 = arith.cmpi sgt, %jit3A_1192, %sign3A_1201 : i32
      %sign3A_1203 = arith.extui %sign3A_1202 : i1 to i32
      %sign3A_1204 = arith.constant 0 : i32
      %sign3A_1205 = arith.cmpi slt, %jit3A_1192, %sign3A_1204 : i32
      %sign3A_1206 = arith.extui %sign3A_1205 : i1 to i32
      %sign3A_1207 = arith.subi %sign3A_1203, %sign3A_1206 : i32
      %ne3A_1208 = arith.cmpi ne, %sign3A_1200, %sign3A_1207 : i32
      %rem3A_1209 = arith.remsi %reduce_min3A_1165, %jit3A_1192 : i32
      %ne3A_1210 = arith.constant 0 : i32
      %ne3A_1211 = arith.cmpi ne, %rem3A_1209, %ne3A_1210 : i32
      %and3A_1212 = arith.andi %ne3A_1208, %ne3A_1211 : i1
      %sub3A_1213 = arith.constant 1 : i32
      %sub3A_1214 = arith.subi %div3A_1193, %sub3A_1213 : i32
      %select_n3A_1215 = arith.select %and3A_1212, %sub3A_1214, %div3A_1193 : i32
      %mul3A_1216 = arith.constant 128 : i32
      %mul3A_1217 = arith.muli %select_n3A_1215, %mul3A_1216 : i32
      %sub3A_1218 = arith.subi %reduce_min3A_1165, %mul3A_1217 : i32
      %get3A_1219 = arith.index_cast %add3A_1191 : i32 to index
      %get3A_1220 = arith.constant 0 : index
      %get3A_1221 = vector.load %arg8[%get3A_1219, %get3A_1220] : memref<384x128xf32, #tpu.memory_space<vmem>>, vector<1x128xf32>
      %eq3A_1222 = vector.broadcast %sub3A_1218 : i32 to vector<1x128xi32>
      %eq3A_1223 = arith.cmpi eq, %iota3A_41, %eq3A_1222 : vector<1x128xi32>
      %jit3A_1224 = arith.constant 0.000000e+00 : f32
      %broadcast_in_dim3A_1225 = vector.broadcast %jit3A_1224 : f32 to vector<1x128xf32>
      %select_n3A_1226 = arith.select %eq3A_1223, %get3A_1221, %broadcast_in_dim3A_1225 : vector<1x128xi1>, vector<1x128xf32>
      %reduce_sum3A_1227 = arith.constant dense<0.000000e+00> : vector<1xf32>
      %reduce_sum3A_1228 = vector.multi_reduction <add>, %select_n3A_1226, %reduce_sum3A_1227 [1] : vector<1x128xf32> to vector<1xf32>
      %broadcast_in_dim3A_1229 = vector.shape_cast %reduce_sum3A_1228 : vector<1xf32> to vector<1x1xf32>
      %get3A_1230 = arith.index_cast %add3A_1191 : i32 to index
      %get3A_1231 = arith.constant 0 : index
      %get3A_1232 = vector.load %arg9[%get3A_1230, %get3A_1231] : memref<384x128xf32, #tpu.memory_space<vmem>>, vector<1x128xf32>
      %eq3A_1233 = vector.broadcast %sub3A_1218 : i32 to vector<1x128xi32>
      %eq3A_1234 = arith.cmpi eq, %iota3A_41, %eq3A_1233 : vector<1x128xi32>
      %jit3A_1235 = arith.constant 0.000000e+00 : f32
      %broadcast_in_dim3A_1236 = vector.broadcast %jit3A_1235 : f32 to vector<1x128xf32>
      %select_n3A_1237 = arith.select %eq3A_1234, %get3A_1232, %broadcast_in_dim3A_1236 : vector<1x128xi1>, vector<1x128xf32>
      %reduce_sum3A_1238 = arith.constant dense<0.000000e+00> : vector<1xf32>
      %reduce_sum3A_1239 = vector.multi_reduction <add>, %select_n3A_1237, %reduce_sum3A_1238 [1] : vector<1x128xf32> to vector<1xf32>
      %broadcast_in_dim3A_1240 = vector.shape_cast %reduce_sum3A_1239 : vector<1xf32> to vector<1x1xf32>
      %get3A_1241 = arith.index_cast %add3A_1191 : i32 to index
      %get3A_1242 = arith.constant 0 : index
      %get3A_1243 = vector.load %arg10[%get3A_1241, %get3A_1242] : memref<384x128xf32, #tpu.memory_space<vmem>>, vector<1x128xf32>
      %eq3A_1244 = vector.broadcast %sub3A_1218 : i32 to vector<1x128xi32>
      %eq3A_1245 = arith.cmpi eq, %iota3A_41, %eq3A_1244 : vector<1x128xi32>
      %jit3A_1246 = arith.constant 0.000000e+00 : f32
      %broadcast_in_dim3A_1247 = vector.broadcast %jit3A_1246 : f32 to vector<1x128xf32>
      %select_n3A_1248 = arith.select %eq3A_1245, %get3A_1243, %broadcast_in_dim3A_1247 : vector<1x128xi1>, vector<1x128xf32>
      %reduce_sum3A_1249 = arith.constant dense<0.000000e+00> : vector<1xf32>
      %reduce_sum3A_1250 = vector.multi_reduction <add>, %select_n3A_1248, %reduce_sum3A_1249 [1] : vector<1x128xf32> to vector<1xf32>
      %broadcast_in_dim3A_1251 = vector.shape_cast %reduce_sum3A_1250 : vector<1xf32> to vector<1x1xf32>
      %get3A_1252 = arith.index_cast %add3A_1191 : i32 to index
      %get3A_1253 = arith.constant 0 : index
      %get3A_1254 = vector.load %arg11[%get3A_1252, %get3A_1253] : memref<384x128xf32, #tpu.memory_space<vmem>>, vector<1x128xf32>
      %eq3A_1255 = vector.broadcast %sub3A_1218 : i32 to vector<1x128xi32>
      %eq3A_1256 = arith.cmpi eq, %iota3A_41, %eq3A_1255 : vector<1x128xi32>
      %jit3A_1257 = arith.constant 0.000000e+00 : f32
      %broadcast_in_dim3A_1258 = vector.broadcast %jit3A_1257 : f32 to vector<1x128xf32>
      %select_n3A_1259 = arith.select %eq3A_1256, %get3A_1254, %broadcast_in_dim3A_1258 : vector<1x128xi1>, vector<1x128xf32>
      %reduce_sum3A_1260 = arith.constant dense<0.000000e+00> : vector<1xf32>
      %reduce_sum3A_1261 = vector.multi_reduction <add>, %select_n3A_1259, %reduce_sum3A_1260 [1] : vector<1x128xf32> to vector<1xf32>
      %broadcast_in_dim3A_1262 = vector.shape_cast %reduce_sum3A_1261 : vector<1xf32> to vector<1x1xf32>
      %sub3A_1263 = arith.subf %broadcast_in_dim3A_1251, %broadcast_in_dim3A_1229 : vector<1x1xf32>
      %max3A_1264 = arith.constant 0.000000e+00 : f32
      %max3A_1265 = vector.broadcast %max3A_1264 : f32 to vector<1x1xf32>
      %max3A_1266 = arith.maximumf %sub3A_1263, %max3A_1265 : vector<1x1xf32>
      %sub3A_1267 = arith.subf %broadcast_in_dim3A_1262, %broadcast_in_dim3A_1240 : vector<1x1xf32>
      %max3A_1268 = arith.constant 0.000000e+00 : f32
      %max3A_1269 = vector.broadcast %max3A_1268 : f32 to vector<1x1xf32>
      %max3A_1270 = arith.maximumf %sub3A_1267, %max3A_1269 : vector<1x1xf32>
      %mul3A_1271 = arith.mulf %max3A_1266, %max3A_1270 : vector<1x1xf32>
      %get3A_1272 = arith.constant 288 : index
      %get3A_1273 = arith.constant 0 : index
      %get3A_1274 = vector.load %arg8[%get3A_1272, %get3A_1273] : memref<384x128xf32, #tpu.memory_space<vmem>>, vector<48x128xf32>
      %max3A_1275 = vector.broadcast %broadcast_in_dim3A_1229 : vector<1x1xf32> to vector<48x128xf32>
      %max3A_1276 = arith.maximumf %get3A_1274, %max3A_1275 : vector<48x128xf32>
      %get3A_1277 = arith.constant 288 : index
      %get3A_1278 = arith.constant 0 : index
      %get3A_1279 = vector.load %arg9[%get3A_1277, %get3A_1278] : memref<384x128xf32, #tpu.memory_space<vmem>>, vector<48x128xf32>
      %max3A_1280 = vector.broadcast %broadcast_in_dim3A_1240 : vector<1x1xf32> to vector<48x128xf32>
      %max3A_1281 = arith.maximumf %get3A_1279, %max3A_1280 : vector<48x128xf32>
      %get3A_1282 = arith.constant 288 : index
      %get3A_1283 = arith.constant 0 : index
      %get3A_1284 = vector.load %arg10[%get3A_1282, %get3A_1283] : memref<384x128xf32, #tpu.memory_space<vmem>>, vector<48x128xf32>
      %min3A_1285 = vector.broadcast %broadcast_in_dim3A_1251 : vector<1x1xf32> to vector<48x128xf32>
      %min3A_1286 = arith.minimumf %get3A_1284, %min3A_1285 : vector<48x128xf32>
      %get3A_1287 = arith.constant 288 : index
      %get3A_1288 = arith.constant 0 : index
      %get3A_1289 = vector.load %arg11[%get3A_1287, %get3A_1288] : memref<384x128xf32, #tpu.memory_space<vmem>>, vector<48x128xf32>
      %min3A_1290 = vector.broadcast %broadcast_in_dim3A_1262 : vector<1x1xf32> to vector<48x128xf32>
      %min3A_1291 = arith.minimumf %get3A_1289, %min3A_1290 : vector<48x128xf32>
      %sub3A_1292 = arith.subf %min3A_1286, %max3A_1276 : vector<48x128xf32>
      %max3A_1293 = arith.constant 0.000000e+00 : f32
      %max3A_1294 = vector.broadcast %max3A_1293 : f32 to vector<48x128xf32>
      %max3A_1295 = arith.maximumf %sub3A_1292, %max3A_1294 : vector<48x128xf32>
      %sub3A_1296 = arith.subf %min3A_1291, %max3A_1281 : vector<48x128xf32>
      %max3A_1297 = arith.constant 0.000000e+00 : f32
      %max3A_1298 = vector.broadcast %max3A_1297 : f32 to vector<48x128xf32>
      %max3A_1299 = arith.maximumf %sub3A_1296, %max3A_1298 : vector<48x128xf32>
      %mul3A_1300 = arith.mulf %max3A_1295, %max3A_1299 : vector<48x128xf32>
      %get3A_1301 = arith.constant 288 : index
      %get3A_1302 = arith.constant 0 : index
      %get3A_1303 = vector.load %arg7[%get3A_1301, %get3A_1302] : memref<384x128xf32, #tpu.memory_space<vmem>>, vector<48x128xf32>
      %add3A_1304 = vector.broadcast %mul3A_1271 : vector<1x1xf32> to vector<48x128xf32>
      %add3A_1305 = arith.addf %add3A_1304, %get3A_1303 : vector<48x128xf32>
      %sub3A_1306 = arith.subf %add3A_1305, %mul3A_1300 : vector<48x128xf32>
      %max3A_1307 = arith.constant 9.99999993E-9 : f32
      %max3A_1308 = vector.broadcast %max3A_1307 : f32 to vector<48x128xf32>
      %max3A_1309 = arith.maximumf %sub3A_1306, %max3A_1308 : vector<48x128xf32>
      %mul3A_1310 = arith.constant 0.699999988 : f32
      %mul3A_1311 = vector.broadcast %mul3A_1310 : f32 to vector<48x128xf32>
      %mul3A_1312 = arith.mulf %mul3A_1311, %max3A_1309 : vector<48x128xf32>
      %gt3A_1313 = arith.cmpf ogt, %mul3A_1300, %mul3A_1312 : vector<48x128xf32>
      %eq3A_1314 = vector.broadcast %reduce_min3A_1165 : i32 to vector<48x128xi32>
      %eq3A_1315 = arith.cmpi eq, %add3A, %eq3A_1314 : vector<48x128xi32>
      %or3A_1316 = arith.ori %gt3A_1313, %eq3A_1315 : vector<48x128xi1>
      %jit3A_1317 = arith.constant -1.000000e+00 : f32
      %broadcast_in_dim3A_1318 = vector.broadcast %jit3A_1317 : f32 to vector<48x128xf32>
      %select_n3A_1319 = arith.select %or3A_1316, %broadcast_in_dim3A_1318, %get3A_1148 : vector<48x128xi1>, vector<48x128xf32>
      %swap3A_1320 = arith.constant 288 : index
      %swap3A_1321 = arith.constant 0 : index
      %swap3A_1322 = vector.load %arg6[%swap3A_1320, %swap3A_1321] : memref<384x128xf32, #tpu.memory_space<vmem>>, vector<48x128xf32>
      tpu.vector_store %arg6[%swap3A_1320, %swap3A_1321], %select_n3A_1319 {strides = array<i32>} : memref<384x128xf32, #tpu.memory_space<vmem>>, vector<48x128xf32>,
      %concatenate3A_1323 = tpu.concatenate %broadcast_in_dim3A_1229, %broadcast_in_dim3A_1240, %broadcast_in_dim3A_1251, %broadcast_in_dim3A_1262 in 1 : vector<1x1xf32>, vector<1x1xf32>, vector<1x1xf32>, vector<1x1xf32> -> vector<1x4xf32>
      %jit3A_1324 = arith.constant 0.000000e+00 : f32
      %broadcast_in_dim3A_1325 = vector.broadcast %jit3A_1324 : f32 to vector<1x4xf32>
      %select_n3A_1326 = arith.select %gt3A_1155, %concatenate3A_1323, %broadcast_in_dim3A_1325 : vector<1x4xf32>
      %reshape3A_1327 = vector.shape_cast %select_n3A_1326 : vector<1x4xf32> to vector<1x1x4xf32>
      %swap3A_1328 = arith.constant 6 : index
      %swap3A_1329 = arith.index_cast %scan3A_46 : i32 to index
      %swap3A_1330 = arith.constant 0 : index
      %swap3A_1331 = vector.load %arg5[%swap3A_1328, %swap3A_1329, %swap3A_1330] : memref<8x1000x4xf32, #tpu.memory_space<vmem>>, vector<1x1x4xf32>
      tpu.vector_store %arg5[%swap3A_1328, %swap3A_1329, %swap3A_1330], %reshape3A_1327 {strides = array<i32>} : memref<8x1000x4xf32, #tpu.memory_space<vmem>>, vector<1x1x4xf32>,
      %get3A_1332 = arith.constant 336 : index
      %get3A_1333 = arith.constant 0 : index
      %get3A_1334 = vector.load %arg6[%get3A_1332, %get3A_1333] : memref<384x128xf32, #tpu.memory_space<vmem>>, vector<48x128xf32>
      %reduce_max3A_1335 = vector.shape_cast %get3A_1334 : vector<48x128xf32> to vector<1x48x128xf32>
      %reduce_max3A_1336 = arith.constant dense<0xFF800000> : vector<1xf32>
      %reduce_max3A_1337 = vector.multi_reduction <maximumf>, %reduce_max3A_1335, %reduce_max3A_1336 [1, 2] : vector<1x48x128xf32> to vector<1xf32>
      %reduce_max3A_1338 = vector.shape_cast %reduce_max3A_1337 : vector<1xf32> to vector<1x1x1xf32>
      %reduce_max3A_1339 = vector.extract %reduce_max3A_1338[0, 0, 0] : f32 from vector<1x1x1xf32>
      %gt3A_1340 = arith.constant 0.000000e+00 : f32
      %gt3A_1341 = arith.cmpf ogt, %reduce_max3A_1339, %gt3A_1340 : f32
      %eq3A_1342 = vector.broadcast %reduce_max3A_1339 : f32 to vector<48x128xf32>
      %eq3A_1343 = arith.cmpf oeq, %get3A_1334, %eq3A_1342 : vector<48x128xf32>
      %jit3A_1344 = arith.constant 6144 : i32
      %broadcast_in_dim3A_1345 = vector.broadcast %jit3A_1344 : i32 to vector<48x128xi32>
      %select_n3A_1346 = arith.select %eq3A_1343, %add3A, %broadcast_in_dim3A_1345 : vector<48x128xi1>, vector<48x128xi32>
      %reduce_min3A_1347 = vector.shape_cast %select_n3A_1346 : vector<48x128xi32> to vector<1x48x128xi32>
      %reduce_min3A_1348 = arith.constant dense<2147483647> : vector<1xi32>
      %reduce_min3A_1349 = vector.multi_reduction <minsi>, %reduce_min3A_1347, %reduce_min3A_1348 [1, 2] : vector<1x48x128xi32> to vector<1xi32>
      %reduce_min3A_1350 = vector.shape_cast %reduce_min3A_1349 : vector<1xi32> to vector<1x1x1xi32>
      %reduce_min3A_1351 = vector.extract %reduce_min3A_1350[0, 0, 0] : i32 from vector<1x1x1xi32>
      %jit3A_1352 = arith.constant 128 : i32
      %div3A_1353 = arith.divsi %reduce_min3A_1351, %jit3A_1352 : i32
      %sign3A_1354 = arith.constant 0 : i32
      %sign3A_1355 = arith.cmpi sgt, %reduce_min3A_1351, %sign3A_1354 : i32
      %sign3A_1356 = arith.extui %sign3A_1355 : i1 to i32
      %sign3A_1357 = arith.constant 0 : i32
      %sign3A_1358 = arith.cmpi slt, %reduce_min3A_1351, %sign3A_1357 : i32
      %sign3A_1359 = arith.extui %sign3A_1358 : i1 to i32
      %sign3A_1360 = arith.subi %sign3A_1356, %sign3A_1359 : i32
      %sign3A_1361 = arith.constant 0 : i32
      %sign3A_1362 = arith.cmpi sgt, %jit3A_1352, %sign3A_1361 : i32
      %sign3A_1363 = arith.extui %sign3A_1362 : i1 to i32
      %sign3A_1364 = arith.constant 0 : i32
      %sign3A_1365 = arith.cmpi slt, %jit3A_1352, %sign3A_1364 : i32
      %sign3A_1366 = arith.extui %sign3A_1365 : i1 to i32
      %sign3A_1367 = arith.subi %sign3A_1363, %sign3A_1366 : i32
      %ne3A_1368 = arith.cmpi ne, %sign3A_1360, %sign3A_1367 : i32
      %rem3A_1369 = arith.remsi %reduce_min3A_1351, %jit3A_1352 : i32
      %ne3A_1370 = arith.constant 0 : i32
      %ne3A_1371 = arith.cmpi ne, %rem3A_1369, %ne3A_1370 : i32
      %and3A_1372 = arith.andi %ne3A_1368, %ne3A_1371 : i1
      %sub3A_1373 = arith.constant 1 : i32
      %sub3A_1374 = arith.subi %div3A_1353, %sub3A_1373 : i32
      %select_n3A_1375 = arith.select %and3A_1372, %sub3A_1374, %div3A_1353 : i32
      %add3A_1376 = arith.constant 336 : i32
      %add3A_1377 = arith.addi %add3A_1376, %select_n3A_1375 : i32
      %jit3A_1378 = arith.constant 128 : i32
      %div3A_1379 = arith.divsi %reduce_min3A_1351, %jit3A_1378 : i32
      %sign3A_1380 = arith.constant 0 : i32
      %sign3A_1381 = arith.cmpi sgt, %reduce_min3A_1351, %sign3A_1380 : i32
      %sign3A_1382 = arith.extui %sign3A_1381 : i1 to i32
      %sign3A_1383 = arith.constant 0 : i32
      %sign3A_1384 = arith.cmpi slt, %reduce_min3A_1351, %sign3A_1383 : i32
      %sign3A_1385 = arith.extui %sign3A_1384 : i1 to i32
      %sign3A_1386 = arith.subi %sign3A_1382, %sign3A_1385 : i32
      %sign3A_1387 = arith.constant 0 : i32
      %sign3A_1388 = arith.cmpi sgt, %jit3A_1378, %sign3A_1387 : i32
      %sign3A_1389 = arith.extui %sign3A_1388 : i1 to i32
      %sign3A_1390 = arith.constant 0 : i32
      %sign3A_1391 = arith.cmpi slt, %jit3A_1378, %sign3A_1390 : i32
      %sign3A_1392 = arith.extui %sign3A_1391 : i1 to i32
      %sign3A_1393 = arith.subi %sign3A_1389, %sign3A_1392 : i32
      %ne3A_1394 = arith.cmpi ne, %sign3A_1386, %sign3A_1393 : i32
      %rem3A_1395 = arith.remsi %reduce_min3A_1351, %jit3A_1378 : i32
      %ne3A_1396 = arith.constant 0 : i32
      %ne3A_1397 = arith.cmpi ne, %rem3A_1395, %ne3A_1396 : i32
      %and3A_1398 = arith.andi %ne3A_1394, %ne3A_1397 : i1
      %sub3A_1399 = arith.constant 1 : i32
      %sub3A_1400 = arith.subi %div3A_1379, %sub3A_1399 : i32
      %select_n3A_1401 = arith.select %and3A_1398, %sub3A_1400, %div3A_1379 : i32
      %mul3A_1402 = arith.constant 128 : i32
      %mul3A_1403 = arith.muli %select_n3A_1401, %mul3A_1402 : i32
      %sub3A_1404 = arith.subi %reduce_min3A_1351, %mul3A_1403 : i32
      %get3A_1405 = arith.index_cast %add3A_1377 : i32 to index
      %get3A_1406 = arith.constant 0 : index
      %get3A_1407 = vector.load %arg8[%get3A_1405, %get3A_1406] : memref<384x128xf32, #tpu.memory_space<vmem>>, vector<1x128xf32>
      %eq3A_1408 = vector.broadcast %sub3A_1404 : i32 to vector<1x128xi32>
      %eq3A_1409 = arith.cmpi eq, %iota3A_41, %eq3A_1408 : vector<1x128xi32>
      %jit3A_1410 = arith.constant 0.000000e+00 : f32
      %broadcast_in_dim3A_1411 = vector.broadcast %jit3A_1410 : f32 to vector<1x128xf32>
      %select_n3A_1412 = arith.select %eq3A_1409, %get3A_1407, %broadcast_in_dim3A_1411 : vector<1x128xi1>, vector<1x128xf32>
      %reduce_sum3A_1413 = arith.constant dense<0.000000e+00> : vector<1xf32>
      %reduce_sum3A_1414 = vector.multi_reduction <add>, %select_n3A_1412, %reduce_sum3A_1413 [1] : vector<1x128xf32> to vector<1xf32>
      %broadcast_in_dim3A_1415 = vector.shape_cast %reduce_sum3A_1414 : vector<1xf32> to vector<1x1xf32>
      %get3A_1416 = arith.index_cast %add3A_1377 : i32 to index
      %get3A_1417 = arith.constant 0 : index
      %get3A_1418 = vector.load %arg9[%get3A_1416, %get3A_1417] : memref<384x128xf32, #tpu.memory_space<vmem>>, vector<1x128xf32>
      %eq3A_1419 = vector.broadcast %sub3A_1404 : i32 to vector<1x128xi32>
      %eq3A_1420 = arith.cmpi eq, %iota3A_41, %eq3A_1419 : vector<1x128xi32>
      %jit3A_1421 = arith.constant 0.000000e+00 : f32
      %broadcast_in_dim3A_1422 = vector.broadcast %jit3A_1421 : f32 to vector<1x128xf32>
      %select_n3A_1423 = arith.select %eq3A_1420, %get3A_1418, %broadcast_in_dim3A_1422 : vector<1x128xi1>, vector<1x128xf32>
      %reduce_sum3A_1424 = arith.constant dense<0.000000e+00> : vector<1xf32>
      %reduce_sum3A_1425 = vector.multi_reduction <add>, %select_n3A_1423, %reduce_sum3A_1424 [1] : vector<1x128xf32> to vector<1xf32>
      %broadcast_in_dim3A_1426 = vector.shape_cast %reduce_sum3A_1425 : vector<1xf32> to vector<1x1xf32>
      %get3A_1427 = arith.index_cast %add3A_1377 : i32 to index
      %get3A_1428 = arith.constant 0 : index
      %get3A_1429 = vector.load %arg10[%get3A_1427, %get3A_1428] : memref<384x128xf32, #tpu.memory_space<vmem>>, vector<1x128xf32>
      %eq3A_1430 = vector.broadcast %sub3A_1404 : i32 to vector<1x128xi32>
      %eq3A_1431 = arith.cmpi eq, %iota3A_41, %eq3A_1430 : vector<1x128xi32>
      %jit3A_1432 = arith.constant 0.000000e+00 : f32
      %broadcast_in_dim3A_1433 = vector.broadcast %jit3A_1432 : f32 to vector<1x128xf32>
      %select_n3A_1434 = arith.select %eq3A_1431, %get3A_1429, %broadcast_in_dim3A_1433 : vector<1x128xi1>, vector<1x128xf32>
      %reduce_sum3A_1435 = arith.constant dense<0.000000e+00> : vector<1xf32>
      %reduce_sum3A_1436 = vector.multi_reduction <add>, %select_n3A_1434, %reduce_sum3A_1435 [1] : vector<1x128xf32> to vector<1xf32>
      %broadcast_in_dim3A_1437 = vector.shape_cast %reduce_sum3A_1436 : vector<1xf32> to vector<1x1xf32>
      %get3A_1438 = arith.index_cast %add3A_1377 : i32 to index
      %get3A_1439 = arith.constant 0 : index
      %get3A_1440 = vector.load %arg11[%get3A_1438, %get3A_1439] : memref<384x128xf32, #tpu.memory_space<vmem>>, vector<1x128xf32>
      %eq3A_1441 = vector.broadcast %sub3A_1404 : i32 to vector<1x128xi32>
      %eq3A_1442 = arith.cmpi eq, %iota3A_41, %eq3A_1441 : vector<1x128xi32>
      %jit3A_1443 = arith.constant 0.000000e+00 : f32
      %broadcast_in_dim3A_1444 = vector.broadcast %jit3A_1443 : f32 to vector<1x128xf32>
      %select_n3A_1445 = arith.select %eq3A_1442, %get3A_1440, %broadcast_in_dim3A_1444 : vector<1x128xi1>, vector<1x128xf32>
      %reduce_sum3A_1446 = arith.constant dense<0.000000e+00> : vector<1xf32>
      %reduce_sum3A_1447 = vector.multi_reduction <add>, %select_n3A_1445, %reduce_sum3A_1446 [1] : vector<1x128xf32> to vector<1xf32>
      %broadcast_in_dim3A_1448 = vector.shape_cast %reduce_sum3A_1447 : vector<1xf32> to vector<1x1xf32>
      %sub3A_1449 = arith.subf %broadcast_in_dim3A_1437, %broadcast_in_dim3A_1415 : vector<1x1xf32>
      %max3A_1450 = arith.constant 0.000000e+00 : f32
      %max3A_1451 = vector.broadcast %max3A_1450 : f32 to vector<1x1xf32>
      %max3A_1452 = arith.maximumf %sub3A_1449, %max3A_1451 : vector<1x1xf32>
      %sub3A_1453 = arith.subf %broadcast_in_dim3A_1448, %broadcast_in_dim3A_1426 : vector<1x1xf32>
      %max3A_1454 = arith.constant 0.000000e+00 : f32
      %max3A_1455 = vector.broadcast %max3A_1454 : f32 to vector<1x1xf32>
      %max3A_1456 = arith.maximumf %sub3A_1453, %max3A_1455 : vector<1x1xf32>
      %mul3A_1457 = arith.mulf %max3A_1452, %max3A_1456 : vector<1x1xf32>
      %get3A_1458 = arith.constant 336 : index
      %get3A_1459 = arith.constant 0 : index
      %get3A_1460 = vector.load %arg8[%get3A_1458, %get3A_1459] : memref<384x128xf32, #tpu.memory_space<vmem>>, vector<48x128xf32>
      %max3A_1461 = vector.broadcast %broadcast_in_dim3A_1415 : vector<1x1xf32> to vector<48x128xf32>
      %max3A_1462 = arith.maximumf %get3A_1460, %max3A_1461 : vector<48x128xf32>
      %get3A_1463 = arith.constant 336 : index
      %get3A_1464 = arith.constant 0 : index
      %get3A_1465 = vector.load %arg9[%get3A_1463, %get3A_1464] : memref<384x128xf32, #tpu.memory_space<vmem>>, vector<48x128xf32>
      %max3A_1466 = vector.broadcast %broadcast_in_dim3A_1426 : vector<1x1xf32> to vector<48x128xf32>
      %max3A_1467 = arith.maximumf %get3A_1465, %max3A_1466 : vector<48x128xf32>
      %get3A_1468 = arith.constant 336 : index
      %get3A_1469 = arith.constant 0 : index
      %get3A_1470 = vector.load %arg10[%get3A_1468, %get3A_1469] : memref<384x128xf32, #tpu.memory_space<vmem>>, vector<48x128xf32>
      %min3A_1471 = vector.broadcast %broadcast_in_dim3A_1437 : vector<1x1xf32> to vector<48x128xf32>
      %min3A_1472 = arith.minimumf %get3A_1470, %min3A_1471 : vector<48x128xf32>
      %get3A_1473 = arith.constant 336 : index
      %get3A_1474 = arith.constant 0 : index
      %get3A_1475 = vector.load %arg11[%get3A_1473, %get3A_1474] : memref<384x128xf32, #tpu.memory_space<vmem>>, vector<48x128xf32>
      %min3A_1476 = vector.broadcast %broadcast_in_dim3A_1448 : vector<1x1xf32> to vector<48x128xf32>
      %min3A_1477 = arith.minimumf %get3A_1475, %min3A_1476 : vector<48x128xf32>
      %sub3A_1478 = arith.subf %min3A_1472, %max3A_1462 : vector<48x128xf32>
      %max3A_1479 = arith.constant 0.000000e+00 : f32
      %max3A_1480 = vector.broadcast %max3A_1479 : f32 to vector<48x128xf32>
      %max3A_1481 = arith.maximumf %sub3A_1478, %max3A_1480 : vector<48x128xf32>
      %sub3A_1482 = arith.subf %min3A_1477, %max3A_1467 : vector<48x128xf32>
      %max3A_1483 = arith.constant 0.000000e+00 : f32
      %max3A_1484 = vector.broadcast %max3A_1483 : f32 to vector<48x128xf32>
      %max3A_1485 = arith.maximumf %sub3A_1482, %max3A_1484 : vector<48x128xf32>
      %mul3A_1486 = arith.mulf %max3A_1481, %max3A_1485 : vector<48x128xf32>
      %get3A_1487 = arith.constant 336 : index
      %get3A_1488 = arith.constant 0 : index
      %get3A_1489 = vector.load %arg7[%get3A_1487, %get3A_1488] : memref<384x128xf32, #tpu.memory_space<vmem>>, vector<48x128xf32>
      %add3A_1490 = vector.broadcast %mul3A_1457 : vector<1x1xf32> to vector<48x128xf32>
      %add3A_1491 = arith.addf %add3A_1490, %get3A_1489 : vector<48x128xf32>
      %sub3A_1492 = arith.subf %add3A_1491, %mul3A_1486 : vector<48x128xf32>
      %max3A_1493 = arith.constant 9.99999993E-9 : f32
      %max3A_1494 = vector.broadcast %max3A_1493 : f32 to vector<48x128xf32>
      %max3A_1495 = arith.maximumf %sub3A_1492, %max3A_1494 : vector<48x128xf32>
      %mul3A_1496 = arith.constant 0.699999988 : f32
      %mul3A_1497 = vector.broadcast %mul3A_1496 : f32 to vector<48x128xf32>
      %mul3A_1498 = arith.mulf %mul3A_1497, %max3A_1495 : vector<48x128xf32>
      %gt3A_1499 = arith.cmpf ogt, %mul3A_1486, %mul3A_1498 : vector<48x128xf32>
      %eq3A_1500 = vector.broadcast %reduce_min3A_1351 : i32 to vector<48x128xi32>
      %eq3A_1501 = arith.cmpi eq, %add3A, %eq3A_1500 : vector<48x128xi32>
      %or3A_1502 = arith.ori %gt3A_1499, %eq3A_1501 : vector<48x128xi1>
      %jit3A_1503 = arith.constant -1.000000e+00 : f32
      %broadcast_in_dim3A_1504 = vector.broadcast %jit3A_1503 : f32 to vector<48x128xf32>
      %select_n3A_1505 = arith.select %or3A_1502, %broadcast_in_dim3A_1504, %get3A_1334 : vector<48x128xi1>, vector<48x128xf32>
      %swap3A_1506 = arith.constant 336 : index
      %swap3A_1507 = arith.constant 0 : index
      %swap3A_1508 = vector.load %arg6[%swap3A_1506, %swap3A_1507] : memref<384x128xf32, #tpu.memory_space<vmem>>, vector<48x128xf32>
      tpu.vector_store %arg6[%swap3A_1506, %swap3A_1507], %select_n3A_1505 {strides = array<i32>} : memref<384x128xf32, #tpu.memory_space<vmem>>, vector<48x128xf32>,
      %concatenate3A_1509 = tpu.concatenate %broadcast_in_dim3A_1415, %broadcast_in_dim3A_1426, %broadcast_in_dim3A_1437, %broadcast_in_dim3A_1448 in 1 : vector<1x1xf32>, vector<1x1xf32>, vector<1x1xf32>, vector<1x1xf32> -> vector<1x4xf32>
      %jit3A_1510 = arith.constant 0.000000e+00 : f32
      %broadcast_in_dim3A_1511 = vector.broadcast %jit3A_1510 : f32 to vector<1x4xf32>
      %select_n3A_1512 = arith.select %gt3A_1341, %concatenate3A_1509, %broadcast_in_dim3A_1511 : vector<1x4xf32>
      %reshape3A_1513 = vector.shape_cast %select_n3A_1512 : vector<1x4xf32> to vector<1x1x4xf32>
      %swap3A_1514 = arith.constant 7 : index
      %swap3A_1515 = arith.index_cast %scan3A_46 : i32 to index
      %swap3A_1516 = arith.constant 0 : index
      %swap3A_1517 = vector.load %arg5[%swap3A_1514, %swap3A_1515, %swap3A_1516] : memref<8x1000x4xf32, #tpu.memory_space<vmem>>, vector<1x1x4xf32>
      tpu.vector_store %arg5[%swap3A_1514, %swap3A_1515, %swap3A_1516], %reshape3A_1513 {strides = array<i32>} : memref<8x1000x4xf32, #tpu.memory_space<vmem>>, vector<1x1x4xf32>,
    }
    %scan3A_45 = arith.constant 1000 : i32
    return
  }
}

</mosaic_0001>

<sc_bundles>
// kernel: kernel.5.cloned.1.call-start
scs
__scs_entry_jumppad:
0x0: {  	(pc) =	sbr.rel $0x88, $3  }
0x1: {  	(tag) =	ssettag $0x0;
	lr =	simm.s32 $0x1  }
0x2: {  	[smem:$0x3F9E] =	sst lr;
	_ =	strace $0xD0000000  }
0x3: {  	_ = 	snop  }
0x4: {  	_ = 	snop  }
0x5: {  	_ = 	snop  }
0x6: {  	_ = 	snop  }
0x7: {  	_ = 	snop  }
__scs_overlays_trampoline_lowered:
0x8: {  	[smem:$0x3FAD] =	sst s0  }
0x9: {  	[smem:$0x3FAE] =	sst s1  }
0xa: {  	[smem:$0x3FAF] =	sst s2  }
0xb: {  	[smem:$0x3FB0] =	sst s3  }
0xc: {  	[smem:$0x3FB1] =	sst s4  }
0xd: {  	[smem:$0x3FB2] =	sst s5  }
0xe: {  	[smem:$0x3FB3] =	sst s6  }
0xf: {  	[smem:$0x3FB4] =	sst s7  }
0x10: {  	[smem:$0x3FB5] =	sst s8  }
0x11: {  	[smem:$0x3FB6] =	sst s9;
	s0 =	simm.s32 @!p0 $0x0  }
0x12: {  	s1 =	sld [smem:$0x3F9C];
	s0 =	simm.s32 @p0 $0x1  }
0x13: {  	[smem:$0x3FB7] =	sst s0;
	s0 =	simm.s32 @!p1 $0x0  }
0x14: {  	s2 =	sld [smem:$0x3F9B];
	s0 =	simm.s32 @p1 $0x1  }
0x15: {  	[smem:$0x3FB8] =	sst s0;
	s0 =	simm.s32 @!p2 $0x0  }
0x16: {  	s3 =	sld [smem:$0x3FDB];
	s0 =	simm.s32 @p2 $0x1  }
0x17: {  	s4 =	simm.s32 $0x1BF5;
	[smem:$0x3FBA] =	sst s0  }
0x18: {  	s0 =	sld [smem:$0x3F9D];
	_ =	swait.ge [sflag:s4], $0x0  }
0x19: {  	s7 =	sld [smem:$0x3F9E]  }
0x1a: {  	s8 =	sadd.s32 $0xFFFFE003, lr  }
0x1b: {  	s9 =	sadd.s32 $0xFFFFFEF7, lr;
	s5 =	simm.s32 $0xFFFFFFFF;
	p2 =	slt.u32 s8, $0xFFFFF086  }
0x1c: {  	p1 =	slt.u32 s9, $0xF7A;
	s5 =	simm.s32 @!p2 $0x0  }
0x1d: {  	s5 =	simm.s32 @p1 $0x1;
	p0 =	seq.s32 s7, s2  }
0x1e: {  	s7 =	smul.u32 @!p0 $0xF7A, s2;
	p2 =	seq.s32 @!p0 s5, $0x0  }
0x1f: {  	s9 =	smul.u32 $0xF7A, s1;
	s8 =	simm.s32 @!p0 $0x1BF5;
	p2 =	por !p2, p0  }
0x20: {  	[sflag:s8] =	ssyncset.s32 @!p0 $0xFFFFF086;
	s6 =	sadd.s32 @!p0 s3, s7;
	s7 =	simm.s32 @!p0 $0x108  }
0x21: {  	s3 =	sadd.s32 s3, s9;
	s6 =	sadd.s32 @!p0 $0x88, s6;
	s7 =	simm.s32 @p2 $0x1082  }
0x22: {  	[simem:s7], [sflag:s8] =	dma.local @!p0 [hbm:s6], $0xF7A  }
0x23: {  	s9 =	sor.u32 $0xD0000000, s2;
	s6 =	simm.s32 $0x108;
	_ =	swait.ge @!p0 [sflag:s8], $0x0  }
0x24: {  	s3 =	sadd.s32 $0x88, s3;
	s6 =	simm.s32 @!p1 $0x1082;
	[sflag:s4] =	ssyncset.s32 $0xFFFFF086  }
0x25: {  	[simem:s6], [sflag:s4] =	dma.local [hbm:s3], $0xF7A  }
0x26: {  	[smem:$0x3F9E] =	sst s1;
	(tag) =	ssettag s2;
	_ =	strace s9  }
0x27: {  	s1 =	sld [smem:$0x3FAE]  }
0x28: {  	s2 =	sld [smem:$0x3FAF]  }
0x29: {  	s4 =	sld [smem:$0x3FB1]  }
0x2a: {  	p0 =	seq.s32 s5, $0x0;
	s5 =	sld [smem:$0x3FB2]  }
0x2b: {  	s6 =	sld [smem:$0x3FB3]  }
0x2c: {  	s7 =	sld [smem:$0x3FB4]  }
0x2d: {  	s3 =	simm.s32 $0x108;
	s8 =	sld [smem:$0x3FB5]  }
0x2e: {  	s3 =	simm.s32 @!p0 $0x1082;
	s9 =	sld [smem:$0x3FB6]  }
0x2f: {  	lr =	sadd.s32 s0, s3;
	s0 =	sld [smem:$0x3FAD]  }
0x30: {  	s3 =	sld [smem:$0x3FB0]  }
0x31: {  	[smem:$0x3FB9] =	sst s10  }
0x32: {  	s10 =	sld [smem:$0x3FB7];
	_ =	sdelay $0x3  }
0x33: {  	p0 =	seq.s32 s10, $0x1;
	s10 =	sld [smem:$0x3FB9];
	_ =	sdelay $0x3  }
0x34: {  	[smem:$0x3FB9] =	sst s10  }
0x35: {  	s10 =	sld [smem:$0x3FB8];
	_ =	sdelay $0x3  }
0x36: {  	p1 =	seq.s32 s10, $0x1;
	s10 =	sld [smem:$0x3FB9];
	_ =	sdelay $0x3  }
0x37: {  	[smem:$0x3FB9] =	sst s10  }
0x38: {  	s10 =	sld [smem:$0x3FBA]  }
0x39: {  	_ = 	snop;
	(pc) =	sbr.ind lr, $3  }
0x3a: {  	_ = 	snop  }
0x3b: {  	_ = 	snop  }
0x3c: {  	p2 =	seq.s32 s10, $0x1;
	s10 =	sld [smem:$0x3FB9]  }
0x3d: {  	_ =	shalt  }
0x3e: {  	_ =	shalt  }
0x3f: {  	_ =	shalt  }
0x40: {  	_ =	shalt  }
0x41: {  	_ =	shalt  }
0x42: {  	_ =	shalt  }
0x43: {  	_ =	shalt  }
0x44: {  	_ =	shalt  }
0x45: {  	_ =	shalt  }
0x46: {  	_ =	shalt  }
0x47: {  	_ =	shalt  }
0x48: {  	_ =	shalt  }
0x49: {  	_ =	shalt  }
0x4a: {  	_ =	shalt  }
0x4b: {  	_ =	shalt  }
0x4c: {  	_ =	shalt  }
0x4d: {  	_ =	shalt  }
0x4e: {  	_ =	shalt  }
0x4f: {  	_ =	shalt  }
0x50: {  	_ =	shalt  }
0x51: {  	_ =	shalt  }
0x52: {  	_ =	shalt  }
0x53: {  	_ =	shalt  }
0x54: {  	_ =	shalt  }
0x55: {  	_ =	shalt  }
0x56: {  	_ =	shalt  }
0x57: {  	_ =	shalt  }
0x58: {  	_ =	shalt  }
0x59: {  	_ =	shalt  }
0x5a: {  	_ =	shalt  }
0x5b: {  	_ =	shalt  }
0x5c: {  	_ =	shalt  }
0x5d: {  	_ =	shalt  }
0x5e: {  	_ =	shalt  }
0x5f: {  	_ =	shalt  }
0x60: {  	_ =	shalt  }
0x61: {  	_ =	shalt  }
0x62: {  	_ =	shalt  }
0x63: {  	_ =	shalt  }
0x64: {  	_ =	shalt  }
0x65: {  	_ =	shalt  }
0x66: {  	_ =	shalt  }
0x67: {  	_ =	shalt  }
0x68: {  	_ =	shalt  }
0x69: {  	_ =	shalt  }
0x6a: {  	_ =	shalt  }
0x6b: {  	_ =	shalt  }
0x6c: {  	_ =	shalt  }
0x6d: {  	_ =	shalt  }
0x6e: {  	_ =	shalt  }
0x6f: {  	_ =	shalt  }
0x70: {  	_ =	shalt  }
0x71: {  	_ =	shalt  }
0x72: {  	_ =	shalt  }
0x73: {  	_ =	shalt  }
0x74: {  	_ =	shalt  }
0x75: {  	_ =	shalt  }
0x76: {  	_ =	shalt  }
0x77: {  	_ =	shalt  }
0x78: {  	_ =	shalt  }
0x79: {  	_ =	shalt  }
0x7a: {  	_ =	shalt  }
0x7b: {  	_ =	shalt  }
0x7c: {  	_ =	shalt  }
0x7d: {  	_ =	shalt  }
0x7e: {  	_ =	shalt  }
0x7f: {  	_ =	shalt  }
0x80: {  	_ =	shalt  }
0x81: {  	_ =	shalt  }
0x82: {  	_ =	shalt  }
0x83: {  	_ =	shalt  }
0x84: {  	_ =	shalt  }
0x85: {  	_ =	shalt  }
0x86: {  	_ =	shalt  }
0x87: {  	_ =	shalt  }
.Lfunc_end0:
.L_simem_size_0:
called_computation_lowered:
.L_overlay_start_0:
0x88: {  	s2 =	sld [smem:$0x3FD9]  }
0x89: {  	s3 =	sld [smem:$0x3FFE];
	_ =	sdelay $0x1  }
0x8a: {  	s1 =	srdreg.scid  }
0x8b: {  	s0 =	sand.u32 $0x1, s1  }
0x8c: {  	s16 =	sshll.u32 s0, $0xA;
	s2 =	sadd.s32 s3, s2  }
0x8d: {  	s2 =	sadd.s32 s2, s16  }
0x8e: {  	[smem:$0x3FC5] =	sst s2  }
0x8f: {  	_ = 	snop  }
0x90: {  	(tm) =	ssettm $0x1  }
0x91: {  	s17 =	sld [smem:$0x3FFB];
	_ =	sdelay $0x3  }
0x92: {  	_ =	strace s17  }
0x93: {  	s2 =	sld [smem:$0x3FFC];
	_ =	sdelay $0x3  }
0x94: {  	_ =	strace s2  }
0x95: {  	s2 =	sld [smem:$0x3FFD];
	_ =	sdelay $0x3  }
0x96: {  	_ =	strace s2  }
0x97: {  	_ =	strace $0x8FFFFFFF  }
0x98: {  	s18 =	sld [smem:$0x3FDB];
	_ =	sdelay $0x1  }
0x99: {  	s19 =	simm.s32 $_scs_section_size  }
0x9a: {  	s4 =	simm.s32 $_size__tile_overlayer_lowered;
	s5 =	simm.s32 $_tile_overlayer_lowered  }
0x9b: {  	s22 =	simm.s32 $0x1BFF;
	s21 =	sshll.u32 s5, $0x1;
	s2 =	sadd.s32 s19, s18  }
0x9c: {  	s6 =	simm.s32 $0x0;
	s20 =	sshll.u32 s4, $0x1;
	s4 =	sadd.s32 s21, s2  }
0x9d: {  	[timem:s6], [sflag:s22] =	dma.local [hbm:s4], s20  }
0x9e: {  	_ =	swait.ge [sflag:s22], s20  }
0x9f: {  	s3 =	ssub.s32 $0x0, s20;
	[sflag:s22] =	ssyncset.done $0x0  }
0xa0: {  	[sflag:s22] =	ssyncadd.s32 s3;
	_ =	sdelay $0x1  }
0xa1: {  	s23 =	simm.s32 $0x1B8B  }
0xa2: {  	_ =	swait.ge [sflag:s23], $0x1  }
0xa3: {  	[sflag:s23] =	ssyncset.done $0x0  }
0xa4: {  	s25 =	simm.s32 $0x1B8E;
	s24 =	sld [smem:$0x3FFE];
	[sflag:s23] =	ssyncadd.s32 $0xFFFFFFFF  }
0xa5: {  	s26 =	simm.s32 $execute0_lowered;
	[smem:$0x3FD2] =	sst s25  }
0xa6: {  	s4 =	sshll.u32 s26, $0x1;
	_ =	strace $0x80000046;
	[dreg:$0x1] =	wrdreg $0xFFFFFFFF  }
0xa7: {  	s28 =	simm.s32 $_size_execute0_lowered;
	s2 =	sadd.s32 s2, s4;
	[dreg:$0x0] =	wrdreg $0x0  }
0xa8: {  	s4 =	sshll.u32 s28, $0x1;
	[dreg:$0x2] =	wrdreg s2  }
0xa9: {  	[dreg:$0x3] =	wrdreg s4  }
0xaa: {  	[dreg:$0x4] =	wrdreg $0xC0  }
0xab: {  	_ =	task [dreg:s6], $0x5FFFF  }
0xac: {  	[dreg:$0x1] =	wrdreg $0xFFFFFFFF  }
0xad: {  	[dreg:$0x0] =	wrdreg $0x60  }
0xae: {  	[dreg:$0x2] =	wrdreg s24  }
0xaf: {  	[dreg:$0x3] =	wrdreg $0x9  }
0xb0: {  	_ =	task.clear_ibuf [dreg:s6], $0x4FFFF;
	_ =	strace $0x90000046  }
0xb1: {  	s29 =	simm.s32 $0x9;
	_ =	strace $0x80000048  }
0xb2: {  	_ =	swait.ge [sflag:s29], $0x1  }
0xb3: {  	[sflag:s29] =	ssyncadd.s32 $0xFFFFFFFF  }
0xb4: {  	_ =	strace $0x90000048  }
0xb5: {  	_ =	sfence  }
0xb6: {  	s30 =	sld [smem:$0x0];
	_ =	sdelay $0x2  }
0xb7: {  	s31 =	sshll.u32 s1, $0xD;
	s1 =	sshrl.u32 s1, $0x2  }
0xb8: {  	s3 =	sand.u32 $0x4000, s31;
	s1 =	sadd.s32 s1, s30  }
0xb9: {  	s0 =	sor.u32 s3, s0;
	s1 =	sshll.u32 s1, $0x11  }
0xba: {  	s0 =	sor.u32 s1, s0  }
0xbb: {  	s0 =	sadd.s32 $0x8F2B, s0  }
0xbc: {  	[sflag:s0] =	ssyncadd.remote.s32 $0x1  }
0xbd: {  	_ =	sfence.sel $0xFFFF  }
0xbe: {  	[dreg:$0x0] =	wrdreg $0xFFFFFFFF;
	(pc) =	sbr.abs _section_cstart, $3  }
0xbf: {  	[dreg:$0x1] =	wrdreg $0xFFFFFFFF  }
0xc0: {  	_ =	task.clear_ibuf [dreg:s6], $0x2FFFF;
	_ =	strace $0x9FFFFFFF  }
0xc1: {  	(tm) =	ssettm $0x7FFFFFFF  }
tec
execute0_lowered:
.L_overlay_start_1:
0x0: {  	(tag) =	ssettag $0x1  }
0x1: {  	s1 =	stileid.u32  }
0x2: {  	p0 =	sgt.u32 s1, $0x3  }
.Ltmp0:
0x3: {  	_ = 	snop;
	(pc) =	sbr.rel @p0 .LBB2_17-.Ltmp0, $4  }
0x4: {  	_ = 	snop  }
0x5: {  	s3 =	rddreg [dreg:$0x0];
	s2 =	simm.s32 $0x0  }
0x6: {  	[smem:$0x7FF] =	sst s2  }
0x7: {  	s0 =	rddreg [dreg:$0x1];
	_ =	strace $0x80000047  }
0x8: {  	s4 =	srdreg.scid  }
0x9: {  	s31 =	sshll.u32 s1, $0x1;
	s9 =	sand.u32 $0x1, s4  }
0xa: {  	s4 =	sor.u32 s9, s31  }
0xb: {  	s14 =	sadd.s32 $0x2400, s3;
	s15 =	ssub.s32 $0x2, s9;
	s13 =	smul.u32 $0xA00, s4  }
0xc: {  	s17 =	simm.s32 $0xB800;
	s4 =	smul.u32 $0x300, s4;
	s16 =	sshrl.u32 s15, $0x1  }
0xd: {  	s18 =	simm.s32 $0x0;
	s15 =	ssub.s32 s15, s16;
	s16 =	simm.s32 $0xA000  }
0xe: {  	s11 =	sadd.s32 s13, s3;
	s12 =	sadd.s32 s4, s3;
	s13 =	sadd.s32 s14, s13  }
0xf: {  	s14 =	smax.u32 s15, $0x1;
	s15 =	simm.s32 $0x1;
	s3 =	sadd.s32 $0x7400, s11  }
0x10: {  	s4 =	sadd.s32 $0x20400, s12;
	s5 =	sadd.s32 $0xC400, s11;
	s6 =	sadd.s32 $0x21C00, s12  }
0x11: {  	s7 =	sadd.s32 $0x11400, s11;
	s8 =	sadd.s32 $0x23400, s12;
	s9 =	sadd.s32 $0x16400, s11  }
0x12: {  	v0 =	vimm.s32 $0x4FFF;
	v1 =	vlaneseq.u32;
	s10 =	sadd.s32 $0x24C00, s12;
	s11 =	sadd.s32 $0x1B400, s11;
	s12 =	sadd.s32 $0x26400, s12  }
.LBB2_2:
0x13: {  	s19 =	simm.s32 $0x40;
	s20 =	simm.s32 $0x0  }
.LBB2_3:
0x14: {  	p0 =	sne.s32 s19, $0x5FC0;
	[tilespmem:s20+$0xA000] =	vst v0;
	s20 =	smov.u32 s19;
	s19 =	sadd.s32 $0x40, s19  }
.Ltmp1:
0x15: {  	(pc) =	sbr.rel @p0 .LBB2_3-.Ltmp1, $2  }
0x16: {  	_ =	sdelay $0x2  }
0x17: {  	s20 =	sshra.s32 s20, $0x2  }
0x18: {  	[tilespmem:s20+$0xA000] =	vst v0;
	s31 =	simm.s32 $0x0  }
0x19: {  	[tilespmem:s31], [sflag:$0x1] =	stream.linear.gather [hbm4b:s13+s31], $0x5000, $0x38;
	[tilespmem:$0xD000] =	vst v63  }
0x1a: {  	_ =	swait.ge [sflag:s15], $0x5000  }
0x1b: {  	[sflag:s15] =	ssyncset.done $0x0  }
0x1c: {  	s19 =	simm.s32 $0x5000;
	[sflag:s15] =	ssyncadd.s32 $0xFFFFB000  }
0x1d: {  	[tilespmem:s19], [sflag:$0x1] =	stream.linear.gather [hbm4b:s3+s31], $0x5000, $0x38;
	[tilespmem:$0xD000] =	vst v63  }
0x1e: {  	_ =	swait.ge [sflag:s15], $0x5000  }
0x1f: {  	[sflag:s15] =	ssyncset.done $0x0  }
0x20: {  	[sflag:s15] =	ssyncadd.s32 $0xFFFFB000  }
0x21: {  	v2 =	vld [tilespmem:s31+$0x0];
	_ =	sdelay $0x2  }
0x22: {  	v3 =	vld [tilespmem:s19+$0x0];
	_ =	sdelay $0x1  }
0x23: {  	vm0 =	vgt.f32 v2, $0.0e+00;
	_ =	sdelay $0x4  }
0x24: {  	v2 =	vor.u32 s31, v1  }
0x25: {  	s20 =	simm.s32 $0x10;
	[tilespmem:v3+s16+$0x0] =	vst.idx.msk vm0, v2  }
0x26: {  	s21 =	simm.s32 $0x20;
	s22 =	simm.s32 $0x10;
	v2 =	vld [tilespmem:s20+$0x0]  }
.LBB2_5:
0x27: {  	p0 =	sne.s32 s21, $0x4FF0  }
0x28: {  	s19 =	sadd.s32 $0x10, s19  }
0x29: {  	v3 =	vld [tilespmem:s19+$0x0];
	_ =	sdelay $0x1  }
0x2a: {  	vm0 =	vgt.f32 v2, $0.0e+00;
	_ =	sdelay $0x2  }
.Ltmp2:
0x2b: {  	(pc) =	sbr.rel @p0 .LBB2_5-.Ltmp2, $4  }
0x2c: {  	_ = 	snop  }
0x2d: {  	v2 =	vor.u32 s20, v1;
	s20 =	smov.u32 s21  }
0x2e: {  	s22 =	sadd.s32 $0x10, s22;
	[tilespmem:v3+s16+$0x0] =	vst.idx.msk vm0, v2  }
0x2f: {  	s21 =	sadd.s32 $0x10, s21;
	v2 =	vld [tilespmem:s22+$0x0]  }
0x30: {  	_ = 	snop  }
0x31: {  	s19 =	sadd.s32 $0x10, s19  }
0x32: {  	v3 =	vld [tilespmem:s19+$0x0];
	_ =	sdelay $0x1  }
0x33: {  	vm0 =	vgt.f32 v2, $0.0e+00;
	_ =	sdelay $0x4  }
0x34: {  	v2 =	vor.u32 s20, v1  }
0x35: {  	s19 =	simm.s32 $0x0;
	[tilespmem:v3+s16+$0x0] =	vst.idx.msk vm0, v2  }
0x36: {  	v2 =	vld [tilespmem:s19+$0xA000];
	_ =	sdelay $0x7  }
0x37: {  	s21 =	simm.s32 $0x80;
	s20 =	simm.s32 $0x10;
	v2 =	vld.idx.msk [tilespmem:v2+s2+$0x0], $0xffff  }
.LBB2_7:
0x38: {  	p0 =	sne.s32 s21, $0x5FC0;
	v3 =	vld [tilespmem:s20+$0xA000];
	_ =	sdelay $0x3  }
.Ltmp3:
0x39: {  	(pc) =	sbr.rel @p0 .LBB2_7-.Ltmp3, $2  }
0x3a: {  	[tilespmem:s19+$0xB800] =	vst v2;
	s19 =	smov.u32 s20;
	_ =	sdelay $0x2  }
0x3b: {  	s20 =	sshra.s32 s21, $0x2;
	s21 =	sadd.s32 $0x40, s21;
	v2 =	vld.idx.msk [tilespmem:v3+s2+$0x0], $0xffff  }
0x3c: {  	v3 =	vld [tilespmem:s20+$0xA000];
	_ =	sdelay $0x6  }
0x3d: {  	[tilespmem:s19+$0xB800] =	vst v2  }
0x3e: {  	v2 =	vld.idx.msk [tilespmem:v3+s2+$0x0], $0xffff;
	_ =	sdelay $0x4  }
0x3f: {  	s31 =	simm.s32 $0x0;
	[tilespmem:s20+$0xB800] =	vst v2  }
0x40: {  	[hbm4b:s4+s31] =	stream.linear.scatter [tilespmem:s17], [sflag:$0x1], $0x1800, $0x38;
	[tilespmem:$0xD000] =	vst v63  }
0x41: {  	_ =	swait.ge [sflag:s15], $0x1800  }
0x42: {  	[sflag:s15] =	ssyncset.done $0x0  }
0x43: {  	[sflag:s15] =	ssyncadd.s32 $0xFFFFE800  }
0x44: {  	[tilespmem:s31], [sflag:$0x1] =	stream.linear.gather [hbm4b:s5+s31], $0x5000, $0x38;
	[tilespmem:$0xD000] =	vst v63  }
0x45: {  	_ =	swait.ge [sflag:s15], $0x5000  }
0x46: {  	[sflag:s15] =	ssyncset.done $0x0  }
0x47: {  	s19 =	simm.s32 $0x0;
	[sflag:s15] =	ssyncadd.s32 $0xFFFFB000  }
0x48: {  	v2 =	vld [tilespmem:s19+$0xA000];
	_ =	sdelay $0x7  }
0x49: {  	s21 =	simm.s32 $0x80;
	s20 =	simm.s32 $0x10;
	v2 =	vld.idx.msk [tilespmem:v2+s2+$0x0], $0xffff  }
.LBB2_9:
0x4a: {  	p0 =	sne.s32 s21, $0x5FC0;
	v3 =	vld [tilespmem:s20+$0xA000];
	_ =	sdelay $0x3  }
.Ltmp4:
0x4b: {  	(pc) =	sbr.rel @p0 .LBB2_9-.Ltmp4, $2  }
0x4c: {  	[tilespmem:s19+$0xB800] =	vst v2;
	s19 =	smov.u32 s20;
	_ =	sdelay $0x2  }
0x4d: {  	s20 =	sshra.s32 s21, $0x2;
	s21 =	sadd.s32 $0x40, s21;
	v2 =	vld.idx.msk [tilespmem:v3+s2+$0x0], $0xffff  }
0x4e: {  	v3 =	vld [tilespmem:s20+$0xA000];
	_ =	sdelay $0x6  }
0x4f: {  	[tilespmem:s19+$0xB800] =	vst v2  }
0x50: {  	v2 =	vld.idx.msk [tilespmem:v3+s2+$0x0], $0xffff;
	_ =	sdelay $0x4  }
0x51: {  	s31 =	simm.s32 $0x0;
	[tilespmem:s20+$0xB800] =	vst v2  }
0x52: {  	[hbm4b:s6+s31] =	stream.linear.scatter [tilespmem:s17], [sflag:$0x1], $0x1800, $0x38;
	[tilespmem:$0xD000] =	vst v63  }
0x53: {  	_ =	swait.ge [sflag:s15], $0x1800  }
0x54: {  	[sflag:s15] =	ssyncset.done $0x0  }
0x55: {  	[sflag:s15] =	ssyncadd.s32 $0xFFFFE800  }
0x56: {  	[tilespmem:s31], [sflag:$0x1] =	stream.linear.gather [hbm4b:s7+s31], $0x5000, $0x38;
	[tilespmem:$0xD000] =	vst v63  }
0x57: {  	_ =	swait.ge [sflag:s15], $0x5000  }
0x58: {  	[sflag:s15] =	ssyncset.done $0x0  }
0x59: {  	s19 =	simm.s32 $0x0;
	[sflag:s15] =	ssyncadd.s32 $0xFFFFB000  }
0x5a: {  	v2 =	vld [tilespmem:s19+$0xA000];
	_ =	sdelay $0x7  }
0x5b: {  	s21 =	simm.s32 $0x80;
	s20 =	simm.s32 $0x10;
	v2 =	vld.idx.msk [tilespmem:v2+s2+$0x0], $0xffff  }
.LBB2_11:
0x5c: {  	p0 =	sne.s32 s21, $0x5FC0;
	v3 =	vld [tilespmem:s20+$0xA000];
	_ =	sdelay $0x3  }
.Ltmp5:
0x5d: {  	(pc) =	sbr.rel @p0 .LBB2_11-.Ltmp5, $2  }
0x5e: {  	[tilespmem:s19+$0xB800] =	vst v2;
	s19 =	smov.u32 s20;
	_ =	sdelay $0x2  }
0x5f: {  	s20 =	sshra.s32 s21, $0x2;
	s21 =	sadd.s32 $0x40, s21;
	v2 =	vld.idx.msk [tilespmem:v3+s2+$0x0], $0xffff  }
0x60: {  	v3 =	vld [tilespmem:s20+$0xA000];
	_ =	sdelay $0x6  }
0x61: {  	[tilespmem:s19+$0xB800] =	vst v2  }
0x62: {  	v2 =	vld.idx.msk [tilespmem:v3+s2+$0x0], $0xffff;
	_ =	sdelay $0x4  }
0x63: {  	s31 =	simm.s32 $0x0;
	[tilespmem:s20+$0xB800] =	vst v2  }
0x64: {  	[hbm4b:s8+s31] =	stream.linear.scatter [tilespmem:s17], [sflag:$0x1], $0x1800, $0x38;
	[tilespmem:$0xD000] =	vst v63  }
0x65: {  	_ =	swait.ge [sflag:s15], $0x1800  }
0x66: {  	[sflag:s15] =	ssyncset.done $0x0  }
0x67: {  	[sflag:s15] =	ssyncadd.s32 $0xFFFFE800  }
0x68: {  	[tilespmem:s31], [sflag:$0x1] =	stream.linear.gather [hbm4b:s9+s31], $0x5000, $0x38;
	[tilespmem:$0xD000] =	vst v63  }
0x69: {  	_ =	swait.ge [sflag:s15], $0x5000  }
0x6a: {  	[sflag:s15] =	ssyncset.done $0x0  }
0x6b: {  	s19 =	simm.s32 $0x0;
	[sflag:s15] =	ssyncadd.s32 $0xFFFFB000  }
0x6c: {  	v2 =	vld [tilespmem:s19+$0xA000];
	_ =	sdelay $0x7  }
0x6d: {  	s21 =	simm.s32 $0x80;
	s20 =	simm.s32 $0x10;
	v2 =	vld.idx.msk [tilespmem:v2+s2+$0x0], $0xffff  }
.LBB2_13:
0x6e: {  	p0 =	sne.s32 s21, $0x5FC0;
	v3 =	vld [tilespmem:s20+$0xA000];
	_ =	sdelay $0x3  }
.Ltmp6:
0x6f: {  	(pc) =	sbr.rel @p0 .LBB2_13-.Ltmp6, $2  }
0x70: {  	[tilespmem:s19+$0xB800] =	vst v2;
	s19 =	smov.u32 s20;
	_ =	sdelay $0x2  }
0x71: {  	s20 =	sshra.s32 s21, $0x2;
	s21 =	sadd.s32 $0x40, s21;
	v2 =	vld.idx.msk [tilespmem:v3+s2+$0x0], $0xffff  }
0x72: {  	v3 =	vld [tilespmem:s20+$0xA000];
	_ =	sdelay $0x6  }
0x73: {  	[tilespmem:s19+$0xB800] =	vst v2  }
0x74: {  	v2 =	vld.idx.msk [tilespmem:v3+s2+$0x0], $0xffff;
	_ =	sdelay $0x4  }
0x75: {  	s31 =	simm.s32 $0x0;
	[tilespmem:s20+$0xB800] =	vst v2  }
0x76: {  	[hbm4b:s10+s31] =	stream.linear.scatter [tilespmem:s17], [sflag:$0x1], $0x1800, $0x38;
	[tilespmem:$0xD000] =	vst v63  }
0x77: {  	_ =	swait.ge [sflag:s15], $0x1800  }
0x78: {  	[sflag:s15] =	ssyncset.done $0x0  }
0x79: {  	[sflag:s15] =	ssyncadd.s32 $0xFFFFE800  }
0x7a: {  	[tilespmem:s31], [sflag:$0x1] =	stream.linear.gather [hbm4b:s11+s31], $0x5000, $0x38;
	[tilespmem:$0xD000] =	vst v63  }
0x7b: {  	_ =	swait.ge [sflag:s15], $0x5000  }
0x7c: {  	[sflag:s15] =	ssyncset.done $0x0  }
0x7d: {  	s19 =	simm.s32 $0x0;
	[sflag:s15] =	ssyncadd.s32 $0xFFFFB000  }
0x7e: {  	v2 =	vld [tilespmem:s19+$0xA000];
	_ =	sdelay $0x7  }
0x7f: {  	s21 =	simm.s32 $0x80;
	s20 =	simm.s32 $0x10;
	v2 =	vld.idx.msk [tilespmem:v2+s2+$0x0], $0xffff  }
.LBB2_15:
0x80: {  	p0 =	sne.s32 s21, $0x5FC0;
	v3 =	vld [tilespmem:s20+$0xA000];
	_ =	sdelay $0x3  }
.Ltmp7:
0x81: {  	(pc) =	sbr.rel @p0 .LBB2_15-.Ltmp7, $2  }
0x82: {  	[tilespmem:s19+$0xB800] =	vst v2;
	s19 =	smov.u32 s20;
	_ =	sdelay $0x2  }
0x83: {  	s20 =	sshra.s32 s21, $0x2;
	s21 =	sadd.s32 $0x40, s21;
	v2 =	vld.idx.msk [tilespmem:v3+s2+$0x0], $0xffff  }
0x84: {  	v3 =	vld [tilespmem:s20+$0xA000];
	_ =	sdelay $0x6  }
0x85: {  	[tilespmem:s19+$0xB800] =	vst v2  }
0x86: {  	v2 =	vld.idx.msk [tilespmem:v3+s2+$0x0], $0xffff;
	_ =	sdelay $0x2  }
0x87: {  	s18 =	sadd.s32 $0x1, s18  }
0x88: {  	p0 =	sne.s32 s18, s14  }
.Ltmp8:
0x89: {  	[tilespmem:s20+$0xB800] =	vst v2;
	(pc) =	sbr.rel @p0 .LBB2_2-.Ltmp8, $4  }
0x8a: {  	[hbm4b:s12+s2] =	stream.linear.scatter [tilespmem:s17], [sflag:$0x1], $0x1800, $0x38;
	[tilespmem:$0xD000] =	vst v63  }
0x8b: {  	_ =	swait.ge [sflag:s15], $0x1800  }
0x8c: {  	[sflag:s15] =	ssyncset.done $0x0  }
0x8d: {  	[sflag:s15] =	ssyncadd.s32 $0xFFFFE800  }
.LBB2_17:
0x8e: {  	_ =	sfence.sel $0x180000  }
0x8f: {  	[bflag:$0x0] =	sbarrier.arrive $0xFFFF  }
0x90: {  	p0 =	sne.s32 s1, $0x0;
	_ =	strace $0x90000047  }
0x91: {  	s0 =	sadd.s32 @!p0 $0x100000, s0;
	[bflag:$0x2] =	sbarrier.arrive $0xFFFF  }
0x92: {  	[sflag:s0] =	ssyncadd.tile.s32 @!p0 $0x1;
	_ =	shalt  }
.Lfunc_end2:
_tile_overlayer_lowered:
.L_overlay_start_2:
0x93: {  	(tag) =	ssettag $0x2  }
0x94: {  	s0 =	rddreg [dreg:$0x0];
	s2 =	stileid.u32  }
0x95: {  	s1 =	rddreg [dreg:$0x1];
	p0 =	sne.s32 s2, $0x0  }
0x96: {  	s3 =	rddreg [dreg:$0x2];
	[bflag:$0x3] =	sbarrier.arrive $0xFFFF;
	s2 =	simm.s32 @!p0 $0x1C01  }
0x97: {  	[timem:s3], [sflag:s2] =	dma.local @!p0 [hbm:s0], s1  }
0x98: {  	s0 =	simm.s32 @!p0 $0x1  }
0x99: {  	_ =	swait.ge @!p0 [sflag:s0], s1  }
0x9a: {  	s1 =	ssub.s32 @!p0 $0x0, s1;
	[sflag:s0] =	ssyncset.done @!p0 $0x0  }
0x9b: {  	[sflag:s0] =	ssyncadd.s32 @!p0 s1  }
0x9c: {  	[bflag:$0x3] =	sbarrier.arrive $0xFFFF  }
0x9d: {  	_ =	shalt  }

</sc_bundles>
